<compile_context>
chip_gen: v7x
topology: tpu7x:2x2x1
jax: 0.10.2.dev20260603
libtpu: 0.0.44.dev20260713+nightly
codegen_flags: <defaults>
</compile_context>

<pallas_src>
import functools

import jax
import jax.numpy as jnp
from jax import lax
from jax.experimental import pallas as pl
from jax.experimental.pallas import tpu as pltpu
from jax.experimental.pallas import tpu_sc as plsc

L = 16
B = 16384
K = 16
NW = 32
BPW = B // NW
QS = 128
NQ = BPW // QS
GPQ = QS // L
SR = 128 // K

_mesh = plsc.VectorSubcoreMesh(
    core_axis_name="c", subcore_axis_name="s", num_cores=2, num_subcores=16
)


@functools.partial(
    pl.kernel,
    out_type=jax.ShapeDtypeStruct((B,), jnp.float32),
    mesh=_mesh,
    scratch_types=[
        pltpu.VMEM((BPW,), jnp.int32),
        pltpu.VMEM((BPW,), jnp.int32),
        pltpu.VMEM((QS,), jnp.int32),
        pltpu.VMEM((QS,), jnp.int32),
        pltpu.VMEM((QS,), jnp.int32),
        pltpu.VMEM((QS,), jnp.int32),
        pltpu.VMEM((QS,), jnp.int32),
        pltpu.VMEM((QS,), jnp.int32),
        pltpu.VMEM((QS,), jnp.int32),
        pltpu.VMEM((QS,), jnp.int32),
        pltpu.VMEM((QS, 128), jnp.float32),
        pltpu.VMEM((QS, 128), jnp.float32),
        pltpu.VMEM((QS, 128), jnp.float32),
        pltpu.VMEM((QS, 128), jnp.float32),
        pltpu.VMEM((BPW,), jnp.float32),
        pltpu.VMEM((BPW,), jnp.float32),
        pltpu.VMEM((BPW,), jnp.float32),
        pltpu.VMEM((L,), jnp.float32),
        pltpu.SemaphoreType.DMA,
        pltpu.SemaphoreType.DMA,
    ],
    compiler_params=pltpu.CompilerParams(needs_layout_passes=False),
)
def _fm(u_hbm, m_hbm, w_hbm, v128_hbm, w0_hbm, out_hbm,
        uv, mv, ru0, ru1, ru2, ru3, rm0, rm1, rm2, rm3,
        vux, vmx, vuy, vmy, wu, wm, ov, w0v, semx, semy):
    wid = lax.axis_index("s") * 2 + lax.axis_index("c")
    base = wid * BPW
    pltpu.sync_copy(u_hbm.at[pl.ds(base, BPW)], uv)
    pltpu.sync_copy(m_hbm.at[pl.ds(base, BPW)], mv)
    cwu = pltpu.async_copy(w_hbm.at[uv], wu, semy)
    cwm = pltpu.async_copy(w_hbm.at[mv], wm, semy)

    rus = (ru0, ru1, ru2, ru3)
    rms = (rm0, rm1, rm2, rm3)
    for q in range(NQ):

        def build(g, c, q=q):
            s = q * QS + g * L
            rus[q][pl.ds(g * L, L)] = lax.shift_right_logical(uv[pl.ds(s, L)], 3)
            rms[q][pl.ds(g * L, L)] = lax.shift_right_logical(mv[pl.ds(s, L)], 3)
            return c

        lax.fori_loop(0, GPQ, build, 0)

    pltpu.sync_copy(w0_hbm, w0v)
    w0vec = w0v[...]
    lanes = lax.iota(jnp.int32, L)

    bufs = ((vux, vmx, semx), (vuy, vmy, semy))
    copies = [None] * NQ

    def fire(q):
        vu_b, vm_b, sem = bufs[q % 2]
        copies[q] = (
            pltpu.async_copy(v128_hbm.at[rus[q]], vu_b, sem),
            pltpu.async_copy(v128_hbm.at[rms[q]], vm_b, sem),
        )

    def compute(q):
        vu_b, vm_b, _ = bufs[q % 2]

        def body(g, c, q=q, vu_b=vu_b, vm_b=vm_b):
            s = q * QS + g * L
            rows = g * L + lanes
            uvec = uv[pl.ds(s, L)]
            mvec = mv[pl.ds(s, L)]
            cu = (uvec & 7) * K
            cm = (mvec & 7) * K
            acc = w0vec + wu[pl.ds(s, L)] + wm[pl.ds(s, L)]
            for kk in range(K):
                a = plsc.load_gather(vu_b, [rows, cu + kk])
                b = plsc.load_gather(vm_b, [rows, cm + kk])
                acc = acc + a * b
            ov[pl.ds(s, L)] = acc
            return c

        lax.fori_loop(0, GPQ, body, 0)

    fire(0)
    fire(1)
    cwu.wait()
    cwm.wait()
    for q in range(NQ):
        copies[q][0].wait()
        copies[q][1].wait()
        compute(q)
        if q + 2 < NQ:
            fire(q + 2)

    pltpu.sync_copy(ov, out_hbm.at[pl.ds(base, BPW)])


def kernel(idx, w0, w, V):
    idx = idx.astype(jnp.int32)
    u = idx[:, 0]
    m = idx[:, 1]
    v128 = V.reshape(-1, 128)
    w0b = jnp.broadcast_to(w0.astype(jnp.float32), (L,))
    return _fm(u, m, w, v128, w0b)

# --- scband reference (transcript-rebuilt; emitter-appended) ---
"""Pipeline reference for scband-fm-42288247996615 (READ-ONLY COPY).

The authoritative reference and input builder live on the scoring server;
editing this copy changes nothing except your own understanding.
"""

import jax, jax.numpy as jnp
import numpy as np

NF = 1000000
K = 16
B = 16384

def setup_inputs(seed: int = 0) -> dict:
    key = jax.random.key(seed)
    k_idx, k_v = jax.random.split(key)
    idx = jax.random.randint(k_idx, (B, 2), 0, NF, dtype=jnp.int64) if jax.config.jax_enable_x64 else jax.random.randint(k_idx, (B, 2), 0, NF, dtype=jnp.int32)
    w0 = jnp.zeros((1,), dtype=jnp.float32)
    w = jnp.zeros((NF,), dtype=jnp.float32)
    V = 0.01 * jax.random.normal(k_v, (NF, K), dtype=jnp.float32)
    return {"idx": idx, "w0": w0, "w": w, "V": V}

def reference(idx, w0, w, V):
    u = idx[:, 0]
    m = idx[:, 1]
    bias = jnp.broadcast_to(w0, (idx.shape[0],))
    lin = jnp.take(w, u, axis=0) + jnp.take(w, m, axis=0)
    inter = (jnp.take(V, u, axis=0) * jnp.take(V, m, axis=0)).sum(axis=1)
    return bias + lin + inter

if __name__ == "__main__":
    import jax
    _d = setup_inputs()
    print(jax.jit(kernel)(*tuple(_d.values())))

</pallas_src>

<mosaic_0001>
#map = affine_map<(d0, d1) -> (0)>
#map1 = affine_map<(d0, d1) -> (0, 0)>
module attributes {stable_mosaic.version = 14 : i64} {
  func.func @_fm(%arg0: i32, %arg1: i32, %arg2: memref<16384xi32, #tpu.memory_space<hbm>>, %arg3: memref<16384xi32, #tpu.memory_space<hbm>>, %arg4: memref<1000000xf32, #tpu.memory_space<hbm>>, %arg5: memref<125000x128xf32, #tpu.memory_space<hbm>>, %arg6: memref<16xf32, #tpu.memory_space<hbm>>, %arg7: memref<16384xf32, #tpu.memory_space<hbm>>, %arg8: memref<512xi32, #tpu.memory_space<vmem>>, %arg9: memref<512xi32, #tpu.memory_space<vmem>>, %arg10: memref<128xi32, #tpu.memory_space<vmem>>, %arg11: memref<128xi32, #tpu.memory_space<vmem>>, %arg12: memref<128xi32, #tpu.memory_space<vmem>>, %arg13: memref<128xi32, #tpu.memory_space<vmem>>, %arg14: memref<128xi32, #tpu.memory_space<vmem>>, %arg15: memref<128xi32, #tpu.memory_space<vmem>>, %arg16: memref<128xi32, #tpu.memory_space<vmem>>, %arg17: memref<128xi32, #tpu.memory_space<vmem>>, %arg18: memref<128x128xf32, #tpu.memory_space<vmem>>, %arg19: memref<128x128xf32, #tpu.memory_space<vmem>>, %arg20: memref<128x128xf32, #tpu.memory_space<vmem>>, %arg21: memref<128x128xf32, #tpu.memory_space<vmem>>, %arg22: memref<512xf32, #tpu.memory_space<vmem>>, %arg23: memref<512xf32, #tpu.memory_space<vmem>>, %arg24: memref<512xf32, #tpu.memory_space<vmem>>, %arg25: memref<16xf32, #tpu.memory_space<vmem>>, %arg26: memref<!tpu.dma_semaphore, #tpu.memory_space<semaphore_mem>>, %arg27: memref<!tpu.dma_semaphore, #tpu.memory_space<semaphore_mem>>) attributes {dimension_semantics = [#tpu.dimension_semantics<core_parallel>, #tpu.dimension_semantics<subcore_parallel>], iteration_bounds = array<i64: 2, 16>, scalar_prefetch = 0 : i64, scratch_operands = 20 : i64, tpu.core_type = #tpu.core_type<sc_vector_subcore>, window_params = [{transform_indices = #map}, {transform_indices = #map}, {transform_indices = #map}, {transform_indices = #map1}, {transform_indices = #map}, {transform_indices = #map}]} {
    %mul3A = arith.constant 2 : i32
    %mul3A_0 = arith.muli %arg1, %mul3A : i32
    %add3A = arith.addi %mul3A_0, %arg0 : i32
    %mul3A_1 = arith.constant 512 : i32
    %mul3A_2 = arith.muli %add3A, %mul3A_1 : i32
    "tpu.region"() ({
      %run_scoped3A = tpu.sem_alloc : memref<!tpu.dma_semaphore, #tpu.memory_space<semaphore_mem>>
      %dma_start3A_105 = tpu.memref_slice %arg2[%mul3A_2] : memref<16384xi32, #tpu.memory_space<hbm>> -> memref<512xi32, #tpu.memory_space<hbm>>
      %dma_start3A_106 = tpu.memref_slice %arg2[%mul3A_2] : memref<16384xi32, #tpu.memory_space<hbm>> -> memref<512xi32, #tpu.memory_space<hbm>>
      tpu.enqueue_dma source(%dma_start3A_106 : memref<512xi32, #tpu.memory_space<hbm>>) target(%arg8 : memref<512xi32, #tpu.memory_space<vmem>>) target_semaphore(%run_scoped3A : memref<!tpu.dma_semaphore, #tpu.memory_space<semaphore_mem>>)
      %dma_wait3A_107 = tpu.memref_slice %arg2[%mul3A_2] : memref<16384xi32, #tpu.memory_space<hbm>> -> memref<512xi32, #tpu.memory_space<hbm>>
      %dma_wait3A_108 = tpu.memref_slice %arg2[%mul3A_2] : memref<16384xi32, #tpu.memory_space<hbm>> -> memref<512xi32, #tpu.memory_space<hbm>>
      tpu.wait_dma2 semaphore(%run_scoped3A : memref<!tpu.dma_semaphore, #tpu.memory_space<semaphore_mem>>) src(%dma_wait3A_108 : memref<512xi32, #tpu.memory_space<hbm>>) dst(%arg8 : memref<512xi32, #tpu.memory_space<vmem>>)
      tpu.yield
    }) : () -> ()
    "tpu.region"() ({
      %run_scoped3A = tpu.sem_alloc : memref<!tpu.dma_semaphore, #tpu.memory_space<semaphore_mem>>
      %dma_start3A_105 = tpu.memref_slice %arg3[%mul3A_2] : memref<16384xi32, #tpu.memory_space<hbm>> -> memref<512xi32, #tpu.memory_space<hbm>>
      %dma_start3A_106 = tpu.memref_slice %arg3[%mul3A_2] : memref<16384xi32, #tpu.memory_space<hbm>> -> memref<512xi32, #tpu.memory_space<hbm>>
      tpu.enqueue_dma source(%dma_start3A_106 : memref<512xi32, #tpu.memory_space<hbm>>) target(%arg9 : memref<512xi32, #tpu.memory_space<vmem>>) target_semaphore(%run_scoped3A : memref<!tpu.dma_semaphore, #tpu.memory_space<semaphore_mem>>)
      %dma_wait3A_107 = tpu.memref_slice %arg3[%mul3A_2] : memref<16384xi32, #tpu.memory_space<hbm>> -> memref<512xi32, #tpu.memory_space<hbm>>
      %dma_wait3A_108 = tpu.memref_slice %arg3[%mul3A_2] : memref<16384xi32, #tpu.memory_space<hbm>> -> memref<512xi32, #tpu.memory_space<hbm>>
      tpu.wait_dma2 semaphore(%run_scoped3A : memref<!tpu.dma_semaphore, #tpu.memory_space<semaphore_mem>>) src(%dma_wait3A_108 : memref<512xi32, #tpu.memory_space<hbm>>) dst(%arg9 : memref<512xi32, #tpu.memory_space<vmem>>)
      tpu.yield
    }) : () -> ()
    %dma_start3A = arith.constant 0 : i32
    %dma_start3A_3 = tpu.memref_slice %arg4[%dma_start3A] : memref<1000000xf32, #tpu.memory_space<hbm>> -> memref<1000000xf32, #tpu.memory_space<hbm>>
    tpu.enqueue_indirect_dma source(%dma_start3A_3 : memref<1000000xf32, #tpu.memory_space<hbm>>) target(%arg22 : memref<512xf32, #tpu.memory_space<vmem>>) offsets(%arg8 : memref<512xi32, #tpu.memory_space<vmem>>) semaphore(%arg27 : memref<!tpu.dma_semaphore, #tpu.memory_space<semaphore_mem>>)
    %dma_start3A_4 = arith.constant 0 : i32
    %dma_start3A_5 = tpu.memref_slice %arg4[%dma_start3A_4] : memref<1000000xf32, #tpu.memory_space<hbm>> -> memref<1000000xf32, #tpu.memory_space<hbm>>
    tpu.enqueue_indirect_dma source(%dma_start3A_5 : memref<1000000xf32, #tpu.memory_space<hbm>>) target(%arg23 : memref<512xf32, #tpu.memory_space<vmem>>) offsets(%arg9 : memref<512xi32, #tpu.memory_space<vmem>>) semaphore(%arg27 : memref<!tpu.dma_semaphore, #tpu.memory_space<semaphore_mem>>)
    %scan3A = arith.constant 0 : i32
    %scan3A_6 = arith.constant 0 : i32
    %scan3A_7 = arith.constant 8 : i32
    %scan3A_8 = arith.addi %scan3A_6, %scan3A_7 : i32
    %scan3A_9 = arith.constant 1 : i32
    scf.for %scan3A_105 = %scan3A_6 to %scan3A_8 step %scan3A_9  : i32 {
      %mul3A_106 = arith.constant 16 : i32
      %mul3A_107 = arith.muli %scan3A_105, %mul3A_106 : i32
      %add3A_108 = arith.constant 0 : i32
      %add3A_109 = arith.addi %add3A_108, %mul3A_107 : i32
      %get3A_110 = arith.index_cast %add3A_109 : i32 to index
      %get3A_111 = tpu.vector_load %arg8[%get3A_110] {strides = array<i32>} : memref<512xi32, #tpu.memory_space<vmem>>, vector<16xi32>,
      %shift_right_logical3A = arith.constant 3 : i32
      %shift_right_logical3A_112 = vector.broadcast %shift_right_logical3A : i32 to vector<16xi32>
      %shift_right_logical3A_113 = arith.shrui %get3A_111, %shift_right_logical3A_112 : vector<16xi32>
      %mul3A_114 = arith.constant 16 : i32
      %mul3A_115 = arith.muli %scan3A_105, %mul3A_114 : i32
      %swap3A = arith.index_cast %mul3A_115 : i32 to index
      %swap3A_116 = tpu.vector_load %arg10[%swap3A] {strides = array<i32>} : memref<128xi32, #tpu.memory_space<vmem>>, vector<16xi32>,
      tpu.vector_store %arg10[%swap3A], %shift_right_logical3A_113 {strides = array<i32>} : memref<128xi32, #tpu.memory_space<vmem>>, vector<16xi32>,
      %get3A_117 = arith.index_cast %add3A_109 : i32 to index
      %get3A_118 = tpu.vector_load %arg9[%get3A_117] {strides = array<i32>} : memref<512xi32, #tpu.memory_space<vmem>>, vector<16xi32>,
      %shift_right_logical3A_119 = arith.constant 3 : i32
      %shift_right_logical3A_120 = vector.broadcast %shift_right_logical3A_119 : i32 to vector<16xi32>
      %shift_right_logical3A_121 = arith.shrui %get3A_118, %shift_right_logical3A_120 : vector<16xi32>
      %mul3A_122 = arith.constant 16 : i32
      %mul3A_123 = arith.muli %scan3A_105, %mul3A_122 : i32
      %swap3A_124 = arith.index_cast %mul3A_123 : i32 to index
      %swap3A_125 = tpu.vector_load %arg14[%swap3A_124] {strides = array<i32>} : memref<128xi32, #tpu.memory_space<vmem>>, vector<16xi32>,
      tpu.vector_store %arg14[%swap3A_124], %shift_right_logical3A_121 {strides = array<i32>} : memref<128xi32, #tpu.memory_space<vmem>>, vector<16xi32>,
    }
    %scan3A_10 = arith.constant 8 : i32
    %scan3A_11 = arith.constant 0 : i32
    %scan3A_12 = arith.constant 0 : i32
    %scan3A_13 = arith.constant 8 : i32
    %scan3A_14 = arith.addi %scan3A_12, %scan3A_13 : i32
    %scan3A_15 = arith.constant 1 : i32
    scf.for %scan3A_105 = %scan3A_12 to %scan3A_14 step %scan3A_15  : i32 {
      %mul3A_106 = arith.constant 16 : i32
      %mul3A_107 = arith.muli %scan3A_105, %mul3A_106 : i32
      %add3A_108 = arith.constant 128 : i32
      %add3A_109 = arith.addi %add3A_108, %mul3A_107 : i32
      %get3A_110 = arith.index_cast %add3A_109 : i32 to index
      %get3A_111 = tpu.vector_load %arg8[%get3A_110] {strides = array<i32>} : memref<512xi32, #tpu.memory_space<vmem>>, vector<16xi32>,
      %shift_right_logical3A = arith.constant 3 : i32
      %shift_right_logical3A_112 = vector.broadcast %shift_right_logical3A : i32 to vector<16xi32>
      %shift_right_logical3A_113 = arith.shrui %get3A_111, %shift_right_logical3A_112 : vector<16xi32>
      %mul3A_114 = arith.constant 16 : i32
      %mul3A_115 = arith.muli %scan3A_105, %mul3A_114 : i32
      %swap3A = arith.index_cast %mul3A_115 : i32 to index
      %swap3A_116 = tpu.vector_load %arg11[%swap3A] {strides = array<i32>} : memref<128xi32, #tpu.memory_space<vmem>>, vector<16xi32>,
      tpu.vector_store %arg11[%swap3A], %shift_right_logical3A_113 {strides = array<i32>} : memref<128xi32, #tpu.memory_space<vmem>>, vector<16xi32>,
      %get3A_117 = arith.index_cast %add3A_109 : i32 to index
      %get3A_118 = tpu.vector_load %arg9[%get3A_117] {strides = array<i32>} : memref<512xi32, #tpu.memory_space<vmem>>, vector<16xi32>,
      %shift_right_logical3A_119 = arith.constant 3 : i32
      %shift_right_logical3A_120 = vector.broadcast %shift_right_logical3A_119 : i32 to vector<16xi32>
      %shift_right_logical3A_121 = arith.shrui %get3A_118, %shift_right_logical3A_120 : vector<16xi32>
      %mul3A_122 = arith.constant 16 : i32
      %mul3A_123 = arith.muli %scan3A_105, %mul3A_122 : i32
      %swap3A_124 = arith.index_cast %mul3A_123 : i32 to index
      %swap3A_125 = tpu.vector_load %arg15[%swap3A_124] {strides = array<i32>} : memref<128xi32, #tpu.memory_space<vmem>>, vector<16xi32>,
      tpu.vector_store %arg15[%swap3A_124], %shift_right_logical3A_121 {strides = array<i32>} : memref<128xi32, #tpu.memory_space<vmem>>, vector<16xi32>,
    }
    %scan3A_16 = arith.constant 8 : i32
    %scan3A_17 = arith.constant 0 : i32
    %scan3A_18 = arith.constant 0 : i32
    %scan3A_19 = arith.constant 8 : i32
    %scan3A_20 = arith.addi %scan3A_18, %scan3A_19 : i32
    %scan3A_21 = arith.constant 1 : i32
    scf.for %scan3A_105 = %scan3A_18 to %scan3A_20 step %scan3A_21  : i32 {
      %mul3A_106 = arith.constant 16 : i32
      %mul3A_107 = arith.muli %scan3A_105, %mul3A_106 : i32
      %add3A_108 = arith.constant 256 : i32
      %add3A_109 = arith.addi %add3A_108, %mul3A_107 : i32
      %get3A_110 = arith.index_cast %add3A_109 : i32 to index
      %get3A_111 = tpu.vector_load %arg8[%get3A_110] {strides = array<i32>} : memref<512xi32, #tpu.memory_space<vmem>>, vector<16xi32>,
      %shift_right_logical3A = arith.constant 3 : i32
      %shift_right_logical3A_112 = vector.broadcast %shift_right_logical3A : i32 to vector<16xi32>
      %shift_right_logical3A_113 = arith.shrui %get3A_111, %shift_right_logical3A_112 : vector<16xi32>
      %mul3A_114 = arith.constant 16 : i32
      %mul3A_115 = arith.muli %scan3A_105, %mul3A_114 : i32
      %swap3A = arith.index_cast %mul3A_115 : i32 to index
      %swap3A_116 = tpu.vector_load %arg12[%swap3A] {strides = array<i32>} : memref<128xi32, #tpu.memory_space<vmem>>, vector<16xi32>,
      tpu.vector_store %arg12[%swap3A], %shift_right_logical3A_113 {strides = array<i32>} : memref<128xi32, #tpu.memory_space<vmem>>, vector<16xi32>,
      %get3A_117 = arith.index_cast %add3A_109 : i32 to index
      %get3A_118 = tpu.vector_load %arg9[%get3A_117] {strides = array<i32>} : memref<512xi32, #tpu.memory_space<vmem>>, vector<16xi32>,
      %shift_right_logical3A_119 = arith.constant 3 : i32
      %shift_right_logical3A_120 = vector.broadcast %shift_right_logical3A_119 : i32 to vector<16xi32>
      %shift_right_logical3A_121 = arith.shrui %get3A_118, %shift_right_logical3A_120 : vector<16xi32>
      %mul3A_122 = arith.constant 16 : i32
      %mul3A_123 = arith.muli %scan3A_105, %mul3A_122 : i32
      %swap3A_124 = arith.index_cast %mul3A_123 : i32 to index
      %swap3A_125 = tpu.vector_load %arg16[%swap3A_124] {strides = array<i32>} : memref<128xi32, #tpu.memory_space<vmem>>, vector<16xi32>,
      tpu.vector_store %arg16[%swap3A_124], %shift_right_logical3A_121 {strides = array<i32>} : memref<128xi32, #tpu.memory_space<vmem>>, vector<16xi32>,
    }
    %scan3A_22 = arith.constant 8 : i32
    %scan3A_23 = arith.constant 0 : i32
    %scan3A_24 = arith.constant 0 : i32
    %scan3A_25 = arith.constant 8 : i32
    %scan3A_26 = arith.addi %scan3A_24, %scan3A_25 : i32
    %scan3A_27 = arith.constant 1 : i32
    scf.for %scan3A_105 = %scan3A_24 to %scan3A_26 step %scan3A_27  : i32 {
      %mul3A_106 = arith.constant 16 : i32
      %mul3A_107 = arith.muli %scan3A_105, %mul3A_106 : i32
      %add3A_108 = arith.constant 384 : i32
      %add3A_109 = arith.addi %add3A_108, %mul3A_107 : i32
      %get3A_110 = arith.index_cast %add3A_109 : i32 to index
      %get3A_111 = tpu.vector_load %arg8[%get3A_110] {strides = array<i32>} : memref<512xi32, #tpu.memory_space<vmem>>, vector<16xi32>,
      %shift_right_logical3A = arith.constant 3 : i32
      %shift_right_logical3A_112 = vector.broadcast %shift_right_logical3A : i32 to vector<16xi32>
      %shift_right_logical3A_113 = arith.shrui %get3A_111, %shift_right_logical3A_112 : vector<16xi32>
      %mul3A_114 = arith.constant 16 : i32
      %mul3A_115 = arith.muli %scan3A_105, %mul3A_114 : i32
      %swap3A = arith.index_cast %mul3A_115 : i32 to index
      %swap3A_116 = tpu.vector_load %arg13[%swap3A] {strides = array<i32>} : memref<128xi32, #tpu.memory_space<vmem>>, vector<16xi32>,
      tpu.vector_store %arg13[%swap3A], %shift_right_logical3A_113 {strides = array<i32>} : memref<128xi32, #tpu.memory_space<vmem>>, vector<16xi32>,
      %get3A_117 = arith.index_cast %add3A_109 : i32 to index
      %get3A_118 = tpu.vector_load %arg9[%get3A_117] {strides = array<i32>} : memref<512xi32, #tpu.memory_space<vmem>>, vector<16xi32>,
      %shift_right_logical3A_119 = arith.constant 3 : i32
      %shift_right_logical3A_120 = vector.broadcast %shift_right_logical3A_119 : i32 to vector<16xi32>
      %shift_right_logical3A_121 = arith.shrui %get3A_118, %shift_right_logical3A_120 : vector<16xi32>
      %mul3A_122 = arith.constant 16 : i32
      %mul3A_123 = arith.muli %scan3A_105, %mul3A_122 : i32
      %swap3A_124 = arith.index_cast %mul3A_123 : i32 to index
      %swap3A_125 = tpu.vector_load %arg17[%swap3A_124] {strides = array<i32>} : memref<128xi32, #tpu.memory_space<vmem>>, vector<16xi32>,
      tpu.vector_store %arg17[%swap3A_124], %shift_right_logical3A_121 {strides = array<i32>} : memref<128xi32, #tpu.memory_space<vmem>>, vector<16xi32>,
    }
    %scan3A_28 = arith.constant 8 : i32
    "tpu.region"() ({
      %run_scoped3A = tpu.sem_alloc : memref<!tpu.dma_semaphore, #tpu.memory_space<semaphore_mem>>
      tpu.enqueue_dma source(%arg6 : memref<16xf32, #tpu.memory_space<hbm>>) target(%arg25 : memref<16xf32, #tpu.memory_space<vmem>>) target_semaphore(%run_scoped3A : memref<!tpu.dma_semaphore, #tpu.memory_space<semaphore_mem>>)
      tpu.wait_dma2 semaphore(%run_scoped3A : memref<!tpu.dma_semaphore, #tpu.memory_space<semaphore_mem>>) src(%arg6 : memref<16xf32, #tpu.memory_space<hbm>>) dst(%arg25 : memref<16xf32, #tpu.memory_space<vmem>>)
      tpu.yield
    }) : () -> ()
    %get3A = arith.constant 0 : index
    %get3A_29 = tpu.vector_load %arg25[%get3A] {strides = array<i32>} : memref<16xf32, #tpu.memory_space<vmem>>, vector<16xf32>,
    %iota3A = tpu.iota {dimensions = array<i32: 0>} : vector<16xi32>
    %dma_start3A_30 = arith.constant 0 : i32
    %dma_start3A_31 = arith.constant 0 : i32
    %dma_start3A_32 = tpu.memref_slice %arg5[%dma_start3A_30, %dma_start3A_31] : memref<125000x128xf32, #tpu.memory_space<hbm>> -> memref<125000x128xf32, #tpu.memory_space<hbm>>
    tpu.enqueue_indirect_dma source(%dma_start3A_32 : memref<125000x128xf32, #tpu.memory_space<hbm>>) target(%arg18 : memref<128x128xf32, #tpu.memory_space<vmem>>) offsets(%arg10 : memref<128xi32, #tpu.memory_space<vmem>>) semaphore(%arg26 : memref<!tpu.dma_semaphore, #tpu.memory_space<semaphore_mem>>)
    %dma_start3A_33 = arith.constant 0 : i32
    %dma_start3A_34 = arith.constant 0 : i32
    %dma_start3A_35 = tpu.memref_slice %arg5[%dma_start3A_33, %dma_start3A_34] : memref<125000x128xf32, #tpu.memory_space<hbm>> -> memref<125000x128xf32, #tpu.memory_space<hbm>>
    tpu.enqueue_indirect_dma source(%dma_start3A_35 : memref<125000x128xf32, #tpu.memory_space<hbm>>) target(%arg19 : memref<128x128xf32, #tpu.memory_space<vmem>>) offsets(%arg14 : memref<128xi32, #tpu.memory_space<vmem>>) semaphore(%arg26 : memref<!tpu.dma_semaphore, #tpu.memory_space<semaphore_mem>>)
    %dma_start3A_36 = arith.constant 0 : i32
    %dma_start3A_37 = arith.constant 0 : i32
    %dma_start3A_38 = tpu.memref_slice %arg5[%dma_start3A_36, %dma_start3A_37] : memref<125000x128xf32, #tpu.memory_space<hbm>> -> memref<125000x128xf32, #tpu.memory_space<hbm>>
    tpu.enqueue_indirect_dma source(%dma_start3A_38 : memref<125000x128xf32, #tpu.memory_space<hbm>>) target(%arg20 : memref<128x128xf32, #tpu.memory_space<vmem>>) offsets(%arg11 : memref<128xi32, #tpu.memory_space<vmem>>) semaphore(%arg27 : memref<!tpu.dma_semaphore, #tpu.memory_space<semaphore_mem>>)
    %dma_start3A_39 = arith.constant 0 : i32
    %dma_start3A_40 = arith.constant 0 : i32
    %dma_start3A_41 = tpu.memref_slice %arg5[%dma_start3A_39, %dma_start3A_40] : memref<125000x128xf32, #tpu.memory_space<hbm>> -> memref<125000x128xf32, #tpu.memory_space<hbm>>
    tpu.enqueue_indirect_dma source(%dma_start3A_41 : memref<125000x128xf32, #tpu.memory_space<hbm>>) target(%arg21 : memref<128x128xf32, #tpu.memory_space<vmem>>) offsets(%arg15 : memref<128xi32, #tpu.memory_space<vmem>>) semaphore(%arg27 : memref<!tpu.dma_semaphore, #tpu.memory_space<semaphore_mem>>)
    %dma_wait3A = arith.constant 0 : i32
    %dma_wait3A_42 = tpu.memref_slice %arg4[%dma_wait3A] : memref<1000000xf32, #tpu.memory_space<hbm>> -> memref<1000000xf32, #tpu.memory_space<hbm>>
    tpu.wait_indirect_dma semaphore(%arg27 : memref<!tpu.dma_semaphore, #tpu.memory_space<semaphore_mem>>) src(%dma_wait3A_42 : memref<1000000xf32, #tpu.memory_space<hbm>>) dst(%arg22 : memref<512xf32, #tpu.memory_space<vmem>>)
    %dma_wait3A_43 = arith.constant 0 : i32
    %dma_wait3A_44 = tpu.memref_slice %arg4[%dma_wait3A_43] : memref<1000000xf32, #tpu.memory_space<hbm>> -> memref<1000000xf32, #tpu.memory_space<hbm>>
    tpu.wait_indirect_dma semaphore(%arg27 : memref<!tpu.dma_semaphore, #tpu.memory_space<semaphore_mem>>) src(%dma_wait3A_44 : memref<1000000xf32, #tpu.memory_space<hbm>>) dst(%arg23 : memref<512xf32, #tpu.memory_space<vmem>>)
    %dma_wait3A_45 = arith.constant 0 : i32
    %dma_wait3A_46 = arith.constant 0 : i32
    %dma_wait3A_47 = tpu.memref_slice %arg5[%dma_wait3A_45, %dma_wait3A_46] : memref<125000x128xf32, #tpu.memory_space<hbm>> -> memref<125000x128xf32, #tpu.memory_space<hbm>>
    tpu.wait_indirect_dma semaphore(%arg26 : memref<!tpu.dma_semaphore, #tpu.memory_space<semaphore_mem>>) src(%dma_wait3A_47 : memref<125000x128xf32, #tpu.memory_space<hbm>>) dst(%arg18 : memref<128x128xf32, #tpu.memory_space<vmem>>)
    %dma_wait3A_48 = arith.constant 0 : i32
    %dma_wait3A_49 = arith.constant 0 : i32
    %dma_wait3A_50 = tpu.memref_slice %arg5[%dma_wait3A_48, %dma_wait3A_49] : memref<125000x128xf32, #tpu.memory_space<hbm>> -> memref<125000x128xf32, #tpu.memory_space<hbm>>
    tpu.wait_indirect_dma semaphore(%arg26 : memref<!tpu.dma_semaphore, #tpu.memory_space<semaphore_mem>>) src(%dma_wait3A_50 : memref<125000x128xf32, #tpu.memory_space<hbm>>) dst(%arg19 : memref<128x128xf32, #tpu.memory_space<vmem>>)
    %scan3A_51 = arith.constant 0 : i32
    %scan3A_52 = arith.constant 0 : i32
    %scan3A_53 = arith.constant 8 : i32
    %scan3A_54 = arith.addi %scan3A_52, %scan3A_53 : i32
    %scan3A_55 = arith.constant 1 : i32
    scf.for %scan3A_105 = %scan3A_52 to %scan3A_54 step %scan3A_55  : i32 {
      %mul3A_106 = arith.constant 16 : i32
      %mul3A_107 = arith.muli %scan3A_105, %mul3A_106 : i32
      %add3A_108 = arith.constant 0 : i32
      %add3A_109 = arith.addi %add3A_108, %mul3A_107 : i32
      %mul3A_110 = arith.constant 16 : i32
      %mul3A_111 = arith.muli %scan3A_105, %mul3A_110 : i32
      %add3A_112 = vector.broadcast %mul3A_111 : i32 to vector<16xi32>
      %add3A_113 = arith.addi %add3A_112, %iota3A : vector<16xi32>
      %get3A_114 = arith.index_cast %add3A_109 : i32 to index
      %get3A_115 = tpu.vector_load %arg8[%get3A_114] {strides = array<i32>} : memref<512xi32, #tpu.memory_space<vmem>>, vector<16xi32>,
      %get3A_116 = arith.index_cast %add3A_109 : i32 to index
      %get3A_117 = tpu.vector_load %arg9[%get3A_116] {strides = array<i32>} : memref<512xi32, #tpu.memory_space<vmem>>, vector<16xi32>,
      %and3A = arith.constant 7 : i32
      %and3A_118 = vector.broadcast %and3A : i32 to vector<16xi32>
      %and3A_119 = arith.andi %get3A_115, %and3A_118 : vector<16xi32>
      %mul3A_120 = arith.constant 16 : i32
      %mul3A_121 = vector.broadcast %mul3A_120 : i32 to vector<16xi32>
      %mul3A_122 = arith.muli %and3A_119, %mul3A_121 : vector<16xi32>
      %and3A_123 = arith.constant 7 : i32
      %and3A_124 = vector.broadcast %and3A_123 : i32 to vector<16xi32>
      %and3A_125 = arith.andi %get3A_117, %and3A_124 : vector<16xi32>
      %mul3A_126 = arith.constant 16 : i32
      %mul3A_127 = vector.broadcast %mul3A_126 : i32 to vector<16xi32>
      %mul3A_128 = arith.muli %and3A_125, %mul3A_127 : vector<16xi32>
      %get3A_129 = arith.index_cast %add3A_109 : i32 to index
      %get3A_130 = tpu.vector_load %arg22[%get3A_129] {strides = array<i32>} : memref<512xf32, #tpu.memory_space<vmem>>, vector<16xf32>,
      %add3A_131 = arith.addf %get3A_29, %get3A_130 : vector<16xf32>
      %get3A_132 = arith.index_cast %add3A_109 : i32 to index
      %get3A_133 = tpu.vector_load %arg23[%get3A_132] {strides = array<i32>} : memref<512xf32, #tpu.memory_space<vmem>>, vector<16xf32>,
      %add3A_134 = arith.addf %add3A_131, %get3A_133 : vector<16xf32>
      %add3A_135 = arith.constant 0 : i32
      %add3A_136 = vector.broadcast %add3A_135 : i32 to vector<16xi32>
      %add3A_137 = arith.addi %mul3A_122, %add3A_136 : vector<16xi32>
      %gather3A = tpu.vector_load_idx %arg18[%add3A_113, %add3A_137] : memref<128x128xf32, #tpu.memory_space<vmem>>[vector<16xi32>, vector<16xi32>], vector<16xf32>,
      %add3A_138 = arith.constant 0 : i32
      %add3A_139 = vector.broadcast %add3A_138 : i32 to vector<16xi32>
      %add3A_140 = arith.addi %mul3A_128, %add3A_139 : vector<16xi32>
      %gather3A_141 = tpu.vector_load_idx %arg19[%add3A_113, %add3A_140] : memref<128x128xf32, #tpu.memory_space<vmem>>[vector<16xi32>, vector<16xi32>], vector<16xf32>,
      %mul3A_142 = arith.mulf %gather3A, %gather3A_141 : vector<16xf32>
      %add3A_143 = arith.addf %add3A_134, %mul3A_142 : vector<16xf32>
      %add3A_144 = arith.constant 1 : i32
      %add3A_145 = vector.broadcast %add3A_144 : i32 to vector<16xi32>
      %add3A_146 = arith.addi %mul3A_122, %add3A_145 : vector<16xi32>
      %gather3A_147 = tpu.vector_load_idx %arg18[%add3A_113, %add3A_146] : memref<128x128xf32, #tpu.memory_space<vmem>>[vector<16xi32>, vector<16xi32>], vector<16xf32>,
      %add3A_148 = arith.constant 1 : i32
      %add3A_149 = vector.broadcast %add3A_148 : i32 to vector<16xi32>
      %add3A_150 = arith.addi %mul3A_128, %add3A_149 : vector<16xi32>
      %gather3A_151 = tpu.vector_load_idx %arg19[%add3A_113, %add3A_150] : memref<128x128xf32, #tpu.memory_space<vmem>>[vector<16xi32>, vector<16xi32>], vector<16xf32>,
      %mul3A_152 = arith.mulf %gather3A_147, %gather3A_151 : vector<16xf32>
      %add3A_153 = arith.addf %add3A_143, %mul3A_152 : vector<16xf32>
      %add3A_154 = arith.constant 2 : i32
      %add3A_155 = vector.broadcast %add3A_154 : i32 to vector<16xi32>
      %add3A_156 = arith.addi %mul3A_122, %add3A_155 : vector<16xi32>
      %gather3A_157 = tpu.vector_load_idx %arg18[%add3A_113, %add3A_156] : memref<128x128xf32, #tpu.memory_space<vmem>>[vector<16xi32>, vector<16xi32>], vector<16xf32>,
      %add3A_158 = arith.constant 2 : i32
      %add3A_159 = vector.broadcast %add3A_158 : i32 to vector<16xi32>
      %add3A_160 = arith.addi %mul3A_128, %add3A_159 : vector<16xi32>
      %gather3A_161 = tpu.vector_load_idx %arg19[%add3A_113, %add3A_160] : memref<128x128xf32, #tpu.memory_space<vmem>>[vector<16xi32>, vector<16xi32>], vector<16xf32>,
      %mul3A_162 = arith.mulf %gather3A_157, %gather3A_161 : vector<16xf32>
      %add3A_163 = arith.addf %add3A_153, %mul3A_162 : vector<16xf32>
      %add3A_164 = arith.constant 3 : i32
      %add3A_165 = vector.broadcast %add3A_164 : i32 to vector<16xi32>
      %add3A_166 = arith.addi %mul3A_122, %add3A_165 : vector<16xi32>
      %gather3A_167 = tpu.vector_load_idx %arg18[%add3A_113, %add3A_166] : memref<128x128xf32, #tpu.memory_space<vmem>>[vector<16xi32>, vector<16xi32>], vector<16xf32>,
      %add3A_168 = arith.constant 3 : i32
      %add3A_169 = vector.broadcast %add3A_168 : i32 to vector<16xi32>
      %add3A_170 = arith.addi %mul3A_128, %add3A_169 : vector<16xi32>
      %gather3A_171 = tpu.vector_load_idx %arg19[%add3A_113, %add3A_170] : memref<128x128xf32, #tpu.memory_space<vmem>>[vector<16xi32>, vector<16xi32>], vector<16xf32>,
      %mul3A_172 = arith.mulf %gather3A_167, %gather3A_171 : vector<16xf32>
      %add3A_173 = arith.addf %add3A_163, %mul3A_172 : vector<16xf32>
      %add3A_174 = arith.constant 4 : i32
      %add3A_175 = vector.broadcast %add3A_174 : i32 to vector<16xi32>
      %add3A_176 = arith.addi %mul3A_122, %add3A_175 : vector<16xi32>
      %gather3A_177 = tpu.vector_load_idx %arg18[%add3A_113, %add3A_176] : memref<128x128xf32, #tpu.memory_space<vmem>>[vector<16xi32>, vector<16xi32>], vector<16xf32>,
      %add3A_178 = arith.constant 4 : i32
      %add3A_179 = vector.broadcast %add3A_178 : i32 to vector<16xi32>
      %add3A_180 = arith.addi %mul3A_128, %add3A_179 : vector<16xi32>
      %gather3A_181 = tpu.vector_load_idx %arg19[%add3A_113, %add3A_180] : memref<128x128xf32, #tpu.memory_space<vmem>>[vector<16xi32>, vector<16xi32>], vector<16xf32>,
      %mul3A_182 = arith.mulf %gather3A_177, %gather3A_181 : vector<16xf32>
      %add3A_183 = arith.addf %add3A_173, %mul3A_182 : vector<16xf32>
      %add3A_184 = arith.constant 5 : i32
      %add3A_185 = vector.broadcast %add3A_184 : i32 to vector<16xi32>
      %add3A_186 = arith.addi %mul3A_122, %add3A_185 : vector<16xi32>
      %gather3A_187 = tpu.vector_load_idx %arg18[%add3A_113, %add3A_186] : memref<128x128xf32, #tpu.memory_space<vmem>>[vector<16xi32>, vector<16xi32>], vector<16xf32>,
      %add3A_188 = arith.constant 5 : i32
      %add3A_189 = vector.broadcast %add3A_188 : i32 to vector<16xi32>
      %add3A_190 = arith.addi %mul3A_128, %add3A_189 : vector<16xi32>
      %gather3A_191 = tpu.vector_load_idx %arg19[%add3A_113, %add3A_190] : memref<128x128xf32, #tpu.memory_space<vmem>>[vector<16xi32>, vector<16xi32>], vector<16xf32>,
      %mul3A_192 = arith.mulf %gather3A_187, %gather3A_191 : vector<16xf32>
      %add3A_193 = arith.addf %add3A_183, %mul3A_192 : vector<16xf32>
      %add3A_194 = arith.constant 6 : i32
      %add3A_195 = vector.broadcast %add3A_194 : i32 to vector<16xi32>
      %add3A_196 = arith.addi %mul3A_122, %add3A_195 : vector<16xi32>
      %gather3A_197 = tpu.vector_load_idx %arg18[%add3A_113, %add3A_196] : memref<128x128xf32, #tpu.memory_space<vmem>>[vector<16xi32>, vector<16xi32>], vector<16xf32>,
      %add3A_198 = arith.constant 6 : i32
      %add3A_199 = vector.broadcast %add3A_198 : i32 to vector<16xi32>
      %add3A_200 = arith.addi %mul3A_128, %add3A_199 : vector<16xi32>
      %gather3A_201 = tpu.vector_load_idx %arg19[%add3A_113, %add3A_200] : memref<128x128xf32, #tpu.memory_space<vmem>>[vector<16xi32>, vector<16xi32>], vector<16xf32>,
      %mul3A_202 = arith.mulf %gather3A_197, %gather3A_201 : vector<16xf32>
      %add3A_203 = arith.addf %add3A_193, %mul3A_202 : vector<16xf32>
      %add3A_204 = arith.constant 7 : i32
      %add3A_205 = vector.broadcast %add3A_204 : i32 to vector<16xi32>
      %add3A_206 = arith.addi %mul3A_122, %add3A_205 : vector<16xi32>
      %gather3A_207 = tpu.vector_load_idx %arg18[%add3A_113, %add3A_206] : memref<128x128xf32, #tpu.memory_space<vmem>>[vector<16xi32>, vector<16xi32>], vector<16xf32>,
      %add3A_208 = arith.constant 7 : i32
      %add3A_209 = vector.broadcast %add3A_208 : i32 to vector<16xi32>
      %add3A_210 = arith.addi %mul3A_128, %add3A_209 : vector<16xi32>
      %gather3A_211 = tpu.vector_load_idx %arg19[%add3A_113, %add3A_210] : memref<128x128xf32, #tpu.memory_space<vmem>>[vector<16xi32>, vector<16xi32>], vector<16xf32>,
      %mul3A_212 = arith.mulf %gather3A_207, %gather3A_211 : vector<16xf32>
      %add3A_213 = arith.addf %add3A_203, %mul3A_212 : vector<16xf32>
      %add3A_214 = arith.constant 8 : i32
      %add3A_215 = vector.broadcast %add3A_214 : i32 to vector<16xi32>
      %add3A_216 = arith.addi %mul3A_122, %add3A_215 : vector<16xi32>
      %gather3A_217 = tpu.vector_load_idx %arg18[%add3A_113, %add3A_216] : memref<128x128xf32, #tpu.memory_space<vmem>>[vector<16xi32>, vector<16xi32>], vector<16xf32>,
      %add3A_218 = arith.constant 8 : i32
      %add3A_219 = vector.broadcast %add3A_218 : i32 to vector<16xi32>
      %add3A_220 = arith.addi %mul3A_128, %add3A_219 : vector<16xi32>
      %gather3A_221 = tpu.vector_load_idx %arg19[%add3A_113, %add3A_220] : memref<128x128xf32, #tpu.memory_space<vmem>>[vector<16xi32>, vector<16xi32>], vector<16xf32>,
      %mul3A_222 = arith.mulf %gather3A_217, %gather3A_221 : vector<16xf32>
      %add3A_223 = arith.addf %add3A_213, %mul3A_222 : vector<16xf32>
      %add3A_224 = arith.constant 9 : i32
      %add3A_225 = vector.broadcast %add3A_224 : i32 to vector<16xi32>
      %add3A_226 = arith.addi %mul3A_122, %add3A_225 : vector<16xi32>
      %gather3A_227 = tpu.vector_load_idx %arg18[%add3A_113, %add3A_226] : memref<128x128xf32, #tpu.memory_space<vmem>>[vector<16xi32>, vector<16xi32>], vector<16xf32>,
      %add3A_228 = arith.constant 9 : i32
      %add3A_229 = vector.broadcast %add3A_228 : i32 to vector<16xi32>
      %add3A_230 = arith.addi %mul3A_128, %add3A_229 : vector<16xi32>
      %gather3A_231 = tpu.vector_load_idx %arg19[%add3A_113, %add3A_230] : memref<128x128xf32, #tpu.memory_space<vmem>>[vector<16xi32>, vector<16xi32>], vector<16xf32>,
      %mul3A_232 = arith.mulf %gather3A_227, %gather3A_231 : vector<16xf32>
      %add3A_233 = arith.addf %add3A_223, %mul3A_232 : vector<16xf32>
      %add3A_234 = arith.constant 10 : i32
      %add3A_235 = vector.broadcast %add3A_234 : i32 to vector<16xi32>
      %add3A_236 = arith.addi %mul3A_122, %add3A_235 : vector<16xi32>
      %gather3A_237 = tpu.vector_load_idx %arg18[%add3A_113, %add3A_236] : memref<128x128xf32, #tpu.memory_space<vmem>>[vector<16xi32>, vector<16xi32>], vector<16xf32>,
      %add3A_238 = arith.constant 10 : i32
      %add3A_239 = vector.broadcast %add3A_238 : i32 to vector<16xi32>
      %add3A_240 = arith.addi %mul3A_128, %add3A_239 : vector<16xi32>
      %gather3A_241 = tpu.vector_load_idx %arg19[%add3A_113, %add3A_240] : memref<128x128xf32, #tpu.memory_space<vmem>>[vector<16xi32>, vector<16xi32>], vector<16xf32>,
      %mul3A_242 = arith.mulf %gather3A_237, %gather3A_241 : vector<16xf32>
      %add3A_243 = arith.addf %add3A_233, %mul3A_242 : vector<16xf32>
      %add3A_244 = arith.constant 11 : i32
      %add3A_245 = vector.broadcast %add3A_244 : i32 to vector<16xi32>
      %add3A_246 = arith.addi %mul3A_122, %add3A_245 : vector<16xi32>
      %gather3A_247 = tpu.vector_load_idx %arg18[%add3A_113, %add3A_246] : memref<128x128xf32, #tpu.memory_space<vmem>>[vector<16xi32>, vector<16xi32>], vector<16xf32>,
      %add3A_248 = arith.constant 11 : i32
      %add3A_249 = vector.broadcast %add3A_248 : i32 to vector<16xi32>
      %add3A_250 = arith.addi %mul3A_128, %add3A_249 : vector<16xi32>
      %gather3A_251 = tpu.vector_load_idx %arg19[%add3A_113, %add3A_250] : memref<128x128xf32, #tpu.memory_space<vmem>>[vector<16xi32>, vector<16xi32>], vector<16xf32>,
      %mul3A_252 = arith.mulf %gather3A_247, %gather3A_251 : vector<16xf32>
      %add3A_253 = arith.addf %add3A_243, %mul3A_252 : vector<16xf32>
      %add3A_254 = arith.constant 12 : i32
      %add3A_255 = vector.broadcast %add3A_254 : i32 to vector<16xi32>
      %add3A_256 = arith.addi %mul3A_122, %add3A_255 : vector<16xi32>
      %gather3A_257 = tpu.vector_load_idx %arg18[%add3A_113, %add3A_256] : memref<128x128xf32, #tpu.memory_space<vmem>>[vector<16xi32>, vector<16xi32>], vector<16xf32>,
      %add3A_258 = arith.constant 12 : i32
      %add3A_259 = vector.broadcast %add3A_258 : i32 to vector<16xi32>
      %add3A_260 = arith.addi %mul3A_128, %add3A_259 : vector<16xi32>
      %gather3A_261 = tpu.vector_load_idx %arg19[%add3A_113, %add3A_260] : memref<128x128xf32, #tpu.memory_space<vmem>>[vector<16xi32>, vector<16xi32>], vector<16xf32>,
      %mul3A_262 = arith.mulf %gather3A_257, %gather3A_261 : vector<16xf32>
      %add3A_263 = arith.addf %add3A_253, %mul3A_262 : vector<16xf32>
      %add3A_264 = arith.constant 13 : i32
      %add3A_265 = vector.broadcast %add3A_264 : i32 to vector<16xi32>
      %add3A_266 = arith.addi %mul3A_122, %add3A_265 : vector<16xi32>
      %gather3A_267 = tpu.vector_load_idx %arg18[%add3A_113, %add3A_266] : memref<128x128xf32, #tpu.memory_space<vmem>>[vector<16xi32>, vector<16xi32>], vector<16xf32>,
      %add3A_268 = arith.constant 13 : i32
      %add3A_269 = vector.broadcast %add3A_268 : i32 to vector<16xi32>
      %add3A_270 = arith.addi %mul3A_128, %add3A_269 : vector<16xi32>
      %gather3A_271 = tpu.vector_load_idx %arg19[%add3A_113, %add3A_270] : memref<128x128xf32, #tpu.memory_space<vmem>>[vector<16xi32>, vector<16xi32>], vector<16xf32>,
      %mul3A_272 = arith.mulf %gather3A_267, %gather3A_271 : vector<16xf32>
      %add3A_273 = arith.addf %add3A_263, %mul3A_272 : vector<16xf32>
      %add3A_274 = arith.constant 14 : i32
      %add3A_275 = vector.broadcast %add3A_274 : i32 to vector<16xi32>
      %add3A_276 = arith.addi %mul3A_122, %add3A_275 : vector<16xi32>
      %gather3A_277 = tpu.vector_load_idx %arg18[%add3A_113, %add3A_276] : memref<128x128xf32, #tpu.memory_space<vmem>>[vector<16xi32>, vector<16xi32>], vector<16xf32>,
      %add3A_278 = arith.constant 14 : i32
      %add3A_279 = vector.broadcast %add3A_278 : i32 to vector<16xi32>
      %add3A_280 = arith.addi %mul3A_128, %add3A_279 : vector<16xi32>
      %gather3A_281 = tpu.vector_load_idx %arg19[%add3A_113, %add3A_280] : memref<128x128xf32, #tpu.memory_space<vmem>>[vector<16xi32>, vector<16xi32>], vector<16xf32>,
      %mul3A_282 = arith.mulf %gather3A_277, %gather3A_281 : vector<16xf32>
      %add3A_283 = arith.addf %add3A_273, %mul3A_282 : vector<16xf32>
      %add3A_284 = arith.constant 15 : i32
      %add3A_285 = vector.broadcast %add3A_284 : i32 to vector<16xi32>
      %add3A_286 = arith.addi %mul3A_122, %add3A_285 : vector<16xi32>
      %gather3A_287 = tpu.vector_load_idx %arg18[%add3A_113, %add3A_286] : memref<128x128xf32, #tpu.memory_space<vmem>>[vector<16xi32>, vector<16xi32>], vector<16xf32>,
      %add3A_288 = arith.constant 15 : i32
      %add3A_289 = vector.broadcast %add3A_288 : i32 to vector<16xi32>
      %add3A_290 = arith.addi %mul3A_128, %add3A_289 : vector<16xi32>
      %gather3A_291 = tpu.vector_load_idx %arg19[%add3A_113, %add3A_290] : memref<128x128xf32, #tpu.memory_space<vmem>>[vector<16xi32>, vector<16xi32>], vector<16xf32>,
      %mul3A_292 = arith.mulf %gather3A_287, %gather3A_291 : vector<16xf32>
      %add3A_293 = arith.addf %add3A_283, %mul3A_292 : vector<16xf32>
      %swap3A = arith.index_cast %add3A_109 : i32 to index
      %swap3A_294 = tpu.vector_load %arg24[%swap3A] {strides = array<i32>} : memref<512xf32, #tpu.memory_space<vmem>>, vector<16xf32>,
      tpu.vector_store %arg24[%swap3A], %add3A_293 {strides = array<i32>} : memref<512xf32, #tpu.memory_space<vmem>>, vector<16xf32>,
    }
    %scan3A_56 = arith.constant 8 : i32
    %dma_start3A_57 = arith.constant 0 : i32
    %dma_start3A_58 = arith.constant 0 : i32
    %dma_start3A_59 = tpu.memref_slice %arg5[%dma_start3A_57, %dma_start3A_58] : memref<125000x128xf32, #tpu.memory_space<hbm>> -> memref<125000x128xf32, #tpu.memory_space<hbm>>
    tpu.enqueue_indirect_dma source(%dma_start3A_59 : memref<125000x128xf32, #tpu.memory_space<hbm>>) target(%arg18 : memref<128x128xf32, #tpu.memory_space<vmem>>) offsets(%arg12 : memref<128xi32, #tpu.memory_space<vmem>>) semaphore(%arg26 : memref<!tpu.dma_semaphore, #tpu.memory_space<semaphore_mem>>)
    %dma_start3A_60 = arith.constant 0 : i32
    %dma_start3A_61 = arith.constant 0 : i32
    %dma_start3A_62 = tpu.memref_slice %arg5[%dma_start3A_60, %dma_start3A_61] : memref<125000x128xf32, #tpu.memory_space<hbm>> -> memref<125000x128xf32, #tpu.memory_space<hbm>>
    tpu.enqueue_indirect_dma source(%dma_start3A_62 : memref<125000x128xf32, #tpu.memory_space<hbm>>) target(%arg19 : memref<128x128xf32, #tpu.memory_space<vmem>>) offsets(%arg16 : memref<128xi32, #tpu.memory_space<vmem>>) semaphore(%arg26 : memref<!tpu.dma_semaphore, #tpu.memory_space<semaphore_mem>>)
    %dma_wait3A_63 = arith.constant 0 : i32
    %dma_wait3A_64 = arith.constant 0 : i32
    %dma_wait3A_65 = tpu.memref_slice %arg5[%dma_wait3A_63, %dma_wait3A_64] : memref<125000x128xf32, #tpu.memory_space<hbm>> -> memref<125000x128xf32, #tpu.memory_space<hbm>>
    tpu.wait_indirect_dma semaphore(%arg27 : memref<!tpu.dma_semaphore, #tpu.memory_space<semaphore_mem>>) src(%dma_wait3A_65 : memref<125000x128xf32, #tpu.memory_space<hbm>>) dst(%arg20 : memref<128x128xf32, #tpu.memory_space<vmem>>)
    %dma_wait3A_66 = arith.constant 0 : i32
    %dma_wait3A_67 = arith.constant 0 : i32
    %dma_wait3A_68 = tpu.memref_slice %arg5[%dma_wait3A_66, %dma_wait3A_67] : memref<125000x128xf32, #tpu.memory_space<hbm>> -> memref<125000x128xf32, #tpu.memory_space<hbm>>
    tpu.wait_indirect_dma semaphore(%arg27 : memref<!tpu.dma_semaphore, #tpu.memory_space<semaphore_mem>>) src(%dma_wait3A_68 : memref<125000x128xf32, #tpu.memory_space<hbm>>) dst(%arg21 : memref<128x128xf32, #tpu.memory_space<vmem>>)
    %scan3A_69 = arith.constant 0 : i32
    %scan3A_70 = arith.constant 0 : i32
    %scan3A_71 = arith.constant 8 : i32
    %scan3A_72 = arith.addi %scan3A_70, %scan3A_71 : i32
    %scan3A_73 = arith.constant 1 : i32
    scf.for %scan3A_105 = %scan3A_70 to %scan3A_72 step %scan3A_73  : i32 {
      %mul3A_106 = arith.constant 16 : i32
      %mul3A_107 = arith.muli %scan3A_105, %mul3A_106 : i32
      %add3A_108 = arith.constant 128 : i32
      %add3A_109 = arith.addi %add3A_108, %mul3A_107 : i32
      %mul3A_110 = arith.constant 16 : i32
      %mul3A_111 = arith.muli %scan3A_105, %mul3A_110 : i32
      %add3A_112 = vector.broadcast %mul3A_111 : i32 to vector<16xi32>
      %add3A_113 = arith.addi %add3A_112, %iota3A : vector<16xi32>
      %get3A_114 = arith.index_cast %add3A_109 : i32 to index
      %get3A_115 = tpu.vector_load %arg8[%get3A_114] {strides = array<i32>} : memref<512xi32, #tpu.memory_space<vmem>>, vector<16xi32>,
      %get3A_116 = arith.index_cast %add3A_109 : i32 to index
      %get3A_117 = tpu.vector_load %arg9[%get3A_116] {strides = array<i32>} : memref<512xi32, #tpu.memory_space<vmem>>, vector<16xi32>,
      %and3A = arith.constant 7 : i32
      %and3A_118 = vector.broadcast %and3A : i32 to vector<16xi32>
      %and3A_119 = arith.andi %get3A_115, %and3A_118 : vector<16xi32>
      %mul3A_120 = arith.constant 16 : i32
      %mul3A_121 = vector.broadcast %mul3A_120 : i32 to vector<16xi32>
      %mul3A_122 = arith.muli %and3A_119, %mul3A_121 : vector<16xi32>
      %and3A_123 = arith.constant 7 : i32
      %and3A_124 = vector.broadcast %and3A_123 : i32 to vector<16xi32>
      %and3A_125 = arith.andi %get3A_117, %and3A_124 : vector<16xi32>
      %mul3A_126 = arith.constant 16 : i32
      %mul3A_127 = vector.broadcast %mul3A_126 : i32 to vector<16xi32>
      %mul3A_128 = arith.muli %and3A_125, %mul3A_127 : vector<16xi32>
      %get3A_129 = arith.index_cast %add3A_109 : i32 to index
      %get3A_130 = tpu.vector_load %arg22[%get3A_129] {strides = array<i32>} : memref<512xf32, #tpu.memory_space<vmem>>, vector<16xf32>,
      %add3A_131 = arith.addf %get3A_29, %get3A_130 : vector<16xf32>
      %get3A_132 = arith.index_cast %add3A_109 : i32 to index
      %get3A_133 = tpu.vector_load %arg23[%get3A_132] {strides = array<i32>} : memref<512xf32, #tpu.memory_space<vmem>>, vector<16xf32>,
      %add3A_134 = arith.addf %add3A_131, %get3A_133 : vector<16xf32>
      %add3A_135 = arith.constant 0 : i32
      %add3A_136 = vector.broadcast %add3A_135 : i32 to vector<16xi32>
      %add3A_137 = arith.addi %mul3A_122, %add3A_136 : vector<16xi32>
      %gather3A = tpu.vector_load_idx %arg20[%add3A_113, %add3A_137] : memref<128x128xf32, #tpu.memory_space<vmem>>[vector<16xi32>, vector<16xi32>], vector<16xf32>,
      %add3A_138 = arith.constant 0 : i32
      %add3A_139 = vector.broadcast %add3A_138 : i32 to vector<16xi32>
      %add3A_140 = arith.addi %mul3A_128, %add3A_139 : vector<16xi32>
      %gather3A_141 = tpu.vector_load_idx %arg21[%add3A_113, %add3A_140] : memref<128x128xf32, #tpu.memory_space<vmem>>[vector<16xi32>, vector<16xi32>], vector<16xf32>,
      %mul3A_142 = arith.mulf %gather3A, %gather3A_141 : vector<16xf32>
      %add3A_143 = arith.addf %add3A_134, %mul3A_142 : vector<16xf32>
      %add3A_144 = arith.constant 1 : i32
      %add3A_145 = vector.broadcast %add3A_144 : i32 to vector<16xi32>
      %add3A_146 = arith.addi %mul3A_122, %add3A_145 : vector<16xi32>
      %gather3A_147 = tpu.vector_load_idx %arg20[%add3A_113, %add3A_146] : memref<128x128xf32, #tpu.memory_space<vmem>>[vector<16xi32>, vector<16xi32>], vector<16xf32>,
      %add3A_148 = arith.constant 1 : i32
      %add3A_149 = vector.broadcast %add3A_148 : i32 to vector<16xi32>
      %add3A_150 = arith.addi %mul3A_128, %add3A_149 : vector<16xi32>
      %gather3A_151 = tpu.vector_load_idx %arg21[%add3A_113, %add3A_150] : memref<128x128xf32, #tpu.memory_space<vmem>>[vector<16xi32>, vector<16xi32>], vector<16xf32>,
      %mul3A_152 = arith.mulf %gather3A_147, %gather3A_151 : vector<16xf32>
      %add3A_153 = arith.addf %add3A_143, %mul3A_152 : vector<16xf32>
      %add3A_154 = arith.constant 2 : i32
      %add3A_155 = vector.broadcast %add3A_154 : i32 to vector<16xi32>
      %add3A_156 = arith.addi %mul3A_122, %add3A_155 : vector<16xi32>
      %gather3A_157 = tpu.vector_load_idx %arg20[%add3A_113, %add3A_156] : memref<128x128xf32, #tpu.memory_space<vmem>>[vector<16xi32>, vector<16xi32>], vector<16xf32>,
      %add3A_158 = arith.constant 2 : i32
      %add3A_159 = vector.broadcast %add3A_158 : i32 to vector<16xi32>
      %add3A_160 = arith.addi %mul3A_128, %add3A_159 : vector<16xi32>
      %gather3A_161 = tpu.vector_load_idx %arg21[%add3A_113, %add3A_160] : memref<128x128xf32, #tpu.memory_space<vmem>>[vector<16xi32>, vector<16xi32>], vector<16xf32>,
      %mul3A_162 = arith.mulf %gather3A_157, %gather3A_161 : vector<16xf32>
      %add3A_163 = arith.addf %add3A_153, %mul3A_162 : vector<16xf32>
      %add3A_164 = arith.constant 3 : i32
      %add3A_165 = vector.broadcast %add3A_164 : i32 to vector<16xi32>
      %add3A_166 = arith.addi %mul3A_122, %add3A_165 : vector<16xi32>
      %gather3A_167 = tpu.vector_load_idx %arg20[%add3A_113, %add3A_166] : memref<128x128xf32, #tpu.memory_space<vmem>>[vector<16xi32>, vector<16xi32>], vector<16xf32>,
      %add3A_168 = arith.constant 3 : i32
      %add3A_169 = vector.broadcast %add3A_168 : i32 to vector<16xi32>
      %add3A_170 = arith.addi %mul3A_128, %add3A_169 : vector<16xi32>
      %gather3A_171 = tpu.vector_load_idx %arg21[%add3A_113, %add3A_170] : memref<128x128xf32, #tpu.memory_space<vmem>>[vector<16xi32>, vector<16xi32>], vector<16xf32>,
      %mul3A_172 = arith.mulf %gather3A_167, %gather3A_171 : vector<16xf32>
      %add3A_173 = arith.addf %add3A_163, %mul3A_172 : vector<16xf32>
      %add3A_174 = arith.constant 4 : i32
      %add3A_175 = vector.broadcast %add3A_174 : i32 to vector<16xi32>
      %add3A_176 = arith.addi %mul3A_122, %add3A_175 : vector<16xi32>
      %gather3A_177 = tpu.vector_load_idx %arg20[%add3A_113, %add3A_176] : memref<128x128xf32, #tpu.memory_space<vmem>>[vector<16xi32>, vector<16xi32>], vector<16xf32>,
      %add3A_178 = arith.constant 4 : i32
      %add3A_179 = vector.broadcast %add3A_178 : i32 to vector<16xi32>
      %add3A_180 = arith.addi %mul3A_128, %add3A_179 : vector<16xi32>
      %gather3A_181 = tpu.vector_load_idx %arg21[%add3A_113, %add3A_180] : memref<128x128xf32, #tpu.memory_space<vmem>>[vector<16xi32>, vector<16xi32>], vector<16xf32>,
      %mul3A_182 = arith.mulf %gather3A_177, %gather3A_181 : vector<16xf32>
      %add3A_183 = arith.addf %add3A_173, %mul3A_182 : vector<16xf32>
      %add3A_184 = arith.constant 5 : i32
      %add3A_185 = vector.broadcast %add3A_184 : i32 to vector<16xi32>
      %add3A_186 = arith.addi %mul3A_122, %add3A_185 : vector<16xi32>
      %gather3A_187 = tpu.vector_load_idx %arg20[%add3A_113, %add3A_186] : memref<128x128xf32, #tpu.memory_space<vmem>>[vector<16xi32>, vector<16xi32>], vector<16xf32>,
      %add3A_188 = arith.constant 5 : i32
      %add3A_189 = vector.broadcast %add3A_188 : i32 to vector<16xi32>
      %add3A_190 = arith.addi %mul3A_128, %add3A_189 : vector<16xi32>
      %gather3A_191 = tpu.vector_load_idx %arg21[%add3A_113, %add3A_190] : memref<128x128xf32, #tpu.memory_space<vmem>>[vector<16xi32>, vector<16xi32>], vector<16xf32>,
      %mul3A_192 = arith.mulf %gather3A_187, %gather3A_191 : vector<16xf32>
      %add3A_193 = arith.addf %add3A_183, %mul3A_192 : vector<16xf32>
      %add3A_194 = arith.constant 6 : i32
      %add3A_195 = vector.broadcast %add3A_194 : i32 to vector<16xi32>
      %add3A_196 = arith.addi %mul3A_122, %add3A_195 : vector<16xi32>
      %gather3A_197 = tpu.vector_load_idx %arg20[%add3A_113, %add3A_196] : memref<128x128xf32, #tpu.memory_space<vmem>>[vector<16xi32>, vector<16xi32>], vector<16xf32>,
      %add3A_198 = arith.constant 6 : i32
      %add3A_199 = vector.broadcast %add3A_198 : i32 to vector<16xi32>
      %add3A_200 = arith.addi %mul3A_128, %add3A_199 : vector<16xi32>
      %gather3A_201 = tpu.vector_load_idx %arg21[%add3A_113, %add3A_200] : memref<128x128xf32, #tpu.memory_space<vmem>>[vector<16xi32>, vector<16xi32>], vector<16xf32>,
      %mul3A_202 = arith.mulf %gather3A_197, %gather3A_201 : vector<16xf32>
      %add3A_203 = arith.addf %add3A_193, %mul3A_202 : vector<16xf32>
      %add3A_204 = arith.constant 7 : i32
      %add3A_205 = vector.broadcast %add3A_204 : i32 to vector<16xi32>
      %add3A_206 = arith.addi %mul3A_122, %add3A_205 : vector<16xi32>
      %gather3A_207 = tpu.vector_load_idx %arg20[%add3A_113, %add3A_206] : memref<128x128xf32, #tpu.memory_space<vmem>>[vector<16xi32>, vector<16xi32>], vector<16xf32>,
      %add3A_208 = arith.constant 7 : i32
      %add3A_209 = vector.broadcast %add3A_208 : i32 to vector<16xi32>
      %add3A_210 = arith.addi %mul3A_128, %add3A_209 : vector<16xi32>
      %gather3A_211 = tpu.vector_load_idx %arg21[%add3A_113, %add3A_210] : memref<128x128xf32, #tpu.memory_space<vmem>>[vector<16xi32>, vector<16xi32>], vector<16xf32>,
      %mul3A_212 = arith.mulf %gather3A_207, %gather3A_211 : vector<16xf32>
      %add3A_213 = arith.addf %add3A_203, %mul3A_212 : vector<16xf32>
      %add3A_214 = arith.constant 8 : i32
      %add3A_215 = vector.broadcast %add3A_214 : i32 to vector<16xi32>
      %add3A_216 = arith.addi %mul3A_122, %add3A_215 : vector<16xi32>
      %gather3A_217 = tpu.vector_load_idx %arg20[%add3A_113, %add3A_216] : memref<128x128xf32, #tpu.memory_space<vmem>>[vector<16xi32>, vector<16xi32>], vector<16xf32>,
      %add3A_218 = arith.constant 8 : i32
      %add3A_219 = vector.broadcast %add3A_218 : i32 to vector<16xi32>
      %add3A_220 = arith.addi %mul3A_128, %add3A_219 : vector<16xi32>
      %gather3A_221 = tpu.vector_load_idx %arg21[%add3A_113, %add3A_220] : memref<128x128xf32, #tpu.memory_space<vmem>>[vector<16xi32>, vector<16xi32>], vector<16xf32>,
      %mul3A_222 = arith.mulf %gather3A_217, %gather3A_221 : vector<16xf32>
      %add3A_223 = arith.addf %add3A_213, %mul3A_222 : vector<16xf32>
      %add3A_224 = arith.constant 9 : i32
      %add3A_225 = vector.broadcast %add3A_224 : i32 to vector<16xi32>
      %add3A_226 = arith.addi %mul3A_122, %add3A_225 : vector<16xi32>
      %gather3A_227 = tpu.vector_load_idx %arg20[%add3A_113, %add3A_226] : memref<128x128xf32, #tpu.memory_space<vmem>>[vector<16xi32>, vector<16xi32>], vector<16xf32>,
      %add3A_228 = arith.constant 9 : i32
      %add3A_229 = vector.broadcast %add3A_228 : i32 to vector<16xi32>
      %add3A_230 = arith.addi %mul3A_128, %add3A_229 : vector<16xi32>
      %gather3A_231 = tpu.vector_load_idx %arg21[%add3A_113, %add3A_230] : memref<128x128xf32, #tpu.memory_space<vmem>>[vector<16xi32>, vector<16xi32>], vector<16xf32>,
      %mul3A_232 = arith.mulf %gather3A_227, %gather3A_231 : vector<16xf32>
      %add3A_233 = arith.addf %add3A_223, %mul3A_232 : vector<16xf32>
      %add3A_234 = arith.constant 10 : i32
      %add3A_235 = vector.broadcast %add3A_234 : i32 to vector<16xi32>
      %add3A_236 = arith.addi %mul3A_122, %add3A_235 : vector<16xi32>
      %gather3A_237 = tpu.vector_load_idx %arg20[%add3A_113, %add3A_236] : memref<128x128xf32, #tpu.memory_space<vmem>>[vector<16xi32>, vector<16xi32>], vector<16xf32>,
      %add3A_238 = arith.constant 10 : i32
      %add3A_239 = vector.broadcast %add3A_238 : i32 to vector<16xi32>
      %add3A_240 = arith.addi %mul3A_128, %add3A_239 : vector<16xi32>
      %gather3A_241 = tpu.vector_load_idx %arg21[%add3A_113, %add3A_240] : memref<128x128xf32, #tpu.memory_space<vmem>>[vector<16xi32>, vector<16xi32>], vector<16xf32>,
      %mul3A_242 = arith.mulf %gather3A_237, %gather3A_241 : vector<16xf32>
      %add3A_243 = arith.addf %add3A_233, %mul3A_242 : vector<16xf32>
      %add3A_244 = arith.constant 11 : i32
      %add3A_245 = vector.broadcast %add3A_244 : i32 to vector<16xi32>
      %add3A_246 = arith.addi %mul3A_122, %add3A_245 : vector<16xi32>
      %gather3A_247 = tpu.vector_load_idx %arg20[%add3A_113, %add3A_246] : memref<128x128xf32, #tpu.memory_space<vmem>>[vector<16xi32>, vector<16xi32>], vector<16xf32>,
      %add3A_248 = arith.constant 11 : i32
      %add3A_249 = vector.broadcast %add3A_248 : i32 to vector<16xi32>
      %add3A_250 = arith.addi %mul3A_128, %add3A_249 : vector<16xi32>
      %gather3A_251 = tpu.vector_load_idx %arg21[%add3A_113, %add3A_250] : memref<128x128xf32, #tpu.memory_space<vmem>>[vector<16xi32>, vector<16xi32>], vector<16xf32>,
      %mul3A_252 = arith.mulf %gather3A_247, %gather3A_251 : vector<16xf32>
      %add3A_253 = arith.addf %add3A_243, %mul3A_252 : vector<16xf32>
      %add3A_254 = arith.constant 12 : i32
      %add3A_255 = vector.broadcast %add3A_254 : i32 to vector<16xi32>
      %add3A_256 = arith.addi %mul3A_122, %add3A_255 : vector<16xi32>
      %gather3A_257 = tpu.vector_load_idx %arg20[%add3A_113, %add3A_256] : memref<128x128xf32, #tpu.memory_space<vmem>>[vector<16xi32>, vector<16xi32>], vector<16xf32>,
      %add3A_258 = arith.constant 12 : i32
      %add3A_259 = vector.broadcast %add3A_258 : i32 to vector<16xi32>
      %add3A_260 = arith.addi %mul3A_128, %add3A_259 : vector<16xi32>
      %gather3A_261 = tpu.vector_load_idx %arg21[%add3A_113, %add3A_260] : memref<128x128xf32, #tpu.memory_space<vmem>>[vector<16xi32>, vector<16xi32>], vector<16xf32>,
      %mul3A_262 = arith.mulf %gather3A_257, %gather3A_261 : vector<16xf32>
      %add3A_263 = arith.addf %add3A_253, %mul3A_262 : vector<16xf32>
      %add3A_264 = arith.constant 13 : i32
      %add3A_265 = vector.broadcast %add3A_264 : i32 to vector<16xi32>
      %add3A_266 = arith.addi %mul3A_122, %add3A_265 : vector<16xi32>
      %gather3A_267 = tpu.vector_load_idx %arg20[%add3A_113, %add3A_266] : memref<128x128xf32, #tpu.memory_space<vmem>>[vector<16xi32>, vector<16xi32>], vector<16xf32>,
      %add3A_268 = arith.constant 13 : i32
      %add3A_269 = vector.broadcast %add3A_268 : i32 to vector<16xi32>
      %add3A_270 = arith.addi %mul3A_128, %add3A_269 : vector<16xi32>
      %gather3A_271 = tpu.vector_load_idx %arg21[%add3A_113, %add3A_270] : memref<128x128xf32, #tpu.memory_space<vmem>>[vector<16xi32>, vector<16xi32>], vector<16xf32>,
      %mul3A_272 = arith.mulf %gather3A_267, %gather3A_271 : vector<16xf32>
      %add3A_273 = arith.addf %add3A_263, %mul3A_272 : vector<16xf32>
      %add3A_274 = arith.constant 14 : i32
      %add3A_275 = vector.broadcast %add3A_274 : i32 to vector<16xi32>
      %add3A_276 = arith.addi %mul3A_122, %add3A_275 : vector<16xi32>
      %gather3A_277 = tpu.vector_load_idx %arg20[%add3A_113, %add3A_276] : memref<128x128xf32, #tpu.memory_space<vmem>>[vector<16xi32>, vector<16xi32>], vector<16xf32>,
      %add3A_278 = arith.constant 14 : i32
      %add3A_279 = vector.broadcast %add3A_278 : i32 to vector<16xi32>
      %add3A_280 = arith.addi %mul3A_128, %add3A_279 : vector<16xi32>
      %gather3A_281 = tpu.vector_load_idx %arg21[%add3A_113, %add3A_280] : memref<128x128xf32, #tpu.memory_space<vmem>>[vector<16xi32>, vector<16xi32>], vector<16xf32>,
      %mul3A_282 = arith.mulf %gather3A_277, %gather3A_281 : vector<16xf32>
      %add3A_283 = arith.addf %add3A_273, %mul3A_282 : vector<16xf32>
      %add3A_284 = arith.constant 15 : i32
      %add3A_285 = vector.broadcast %add3A_284 : i32 to vector<16xi32>
      %add3A_286 = arith.addi %mul3A_122, %add3A_285 : vector<16xi32>
      %gather3A_287 = tpu.vector_load_idx %arg20[%add3A_113, %add3A_286] : memref<128x128xf32, #tpu.memory_space<vmem>>[vector<16xi32>, vector<16xi32>], vector<16xf32>,
      %add3A_288 = arith.constant 15 : i32
      %add3A_289 = vector.broadcast %add3A_288 : i32 to vector<16xi32>
      %add3A_290 = arith.addi %mul3A_128, %add3A_289 : vector<16xi32>
      %gather3A_291 = tpu.vector_load_idx %arg21[%add3A_113, %add3A_290] : memref<128x128xf32, #tpu.memory_space<vmem>>[vector<16xi32>, vector<16xi32>], vector<16xf32>,
      %mul3A_292 = arith.mulf %gather3A_287, %gather3A_291 : vector<16xf32>
      %add3A_293 = arith.addf %add3A_283, %mul3A_292 : vector<16xf32>
      %swap3A = arith.index_cast %add3A_109 : i32 to index
      %swap3A_294 = tpu.vector_load %arg24[%swap3A] {strides = array<i32>} : memref<512xf32, #tpu.memory_space<vmem>>, vector<16xf32>,
      tpu.vector_store %arg24[%swap3A], %add3A_293 {strides = array<i32>} : memref<512xf32, #tpu.memory_space<vmem>>, vector<16xf32>,
    }
    %scan3A_74 = arith.constant 8 : i32
    %dma_start3A_75 = arith.constant 0 : i32
    %dma_start3A_76 = arith.constant 0 : i32
    %dma_start3A_77 = tpu.memref_slice %arg5[%dma_start3A_75, %dma_start3A_76] : memref<125000x128xf32, #tpu.memory_space<hbm>> -> memref<125000x128xf32, #tpu.memory_space<hbm>>
    tpu.enqueue_indirect_dma source(%dma_start3A_77 : memref<125000x128xf32, #tpu.memory_space<hbm>>) target(%arg20 : memref<128x128xf32, #tpu.memory_space<vmem>>) offsets(%arg13 : memref<128xi32, #tpu.memory_space<vmem>>) semaphore(%arg27 : memref<!tpu.dma_semaphore, #tpu.memory_space<semaphore_mem>>)
    %dma_start3A_78 = arith.constant 0 : i32
    %dma_start3A_79 = arith.constant 0 : i32
    %dma_start3A_80 = tpu.memref_slice %arg5[%dma_start3A_78, %dma_start3A_79] : memref<125000x128xf32, #tpu.memory_space<hbm>> -> memref<125000x128xf32, #tpu.memory_space<hbm>>
    tpu.enqueue_indirect_dma source(%dma_start3A_80 : memref<125000x128xf32, #tpu.memory_space<hbm>>) target(%arg21 : memref<128x128xf32, #tpu.memory_space<vmem>>) offsets(%arg17 : memref<128xi32, #tpu.memory_space<vmem>>) semaphore(%arg27 : memref<!tpu.dma_semaphore, #tpu.memory_space<semaphore_mem>>)
    %dma_wait3A_81 = arith.constant 0 : i32
    %dma_wait3A_82 = arith.constant 0 : i32
    %dma_wait3A_83 = tpu.memref_slice %arg5[%dma_wait3A_81, %dma_wait3A_82] : memref<125000x128xf32, #tpu.memory_space<hbm>> -> memref<125000x128xf32, #tpu.memory_space<hbm>>
    tpu.wait_indirect_dma semaphore(%arg26 : memref<!tpu.dma_semaphore, #tpu.memory_space<semaphore_mem>>) src(%dma_wait3A_83 : memref<125000x128xf32, #tpu.memory_space<hbm>>) dst(%arg18 : memref<128x128xf32, #tpu.memory_space<vmem>>)
    %dma_wait3A_84 = arith.constant 0 : i32
    %dma_wait3A_85 = arith.constant 0 : i32
    %dma_wait3A_86 = tpu.memref_slice %arg5[%dma_wait3A_84, %dma_wait3A_85] : memref<125000x128xf32, #tpu.memory_space<hbm>> -> memref<125000x128xf32, #tpu.memory_space<hbm>>
    tpu.wait_indirect_dma semaphore(%arg26 : memref<!tpu.dma_semaphore, #tpu.memory_space<semaphore_mem>>) src(%dma_wait3A_86 : memref<125000x128xf32, #tpu.memory_space<hbm>>) dst(%arg19 : memref<128x128xf32, #tpu.memory_space<vmem>>)
    %scan3A_87 = arith.constant 0 : i32
    %scan3A_88 = arith.constant 0 : i32
    %scan3A_89 = arith.constant 8 : i32
    %scan3A_90 = arith.addi %scan3A_88, %scan3A_89 : i32
    %scan3A_91 = arith.constant 1 : i32
    scf.for %scan3A_105 = %scan3A_88 to %scan3A_90 step %scan3A_91  : i32 {
      %mul3A_106 = arith.constant 16 : i32
      %mul3A_107 = arith.muli %scan3A_105, %mul3A_106 : i32
      %add3A_108 = arith.constant 256 : i32
      %add3A_109 = arith.addi %add3A_108, %mul3A_107 : i32
      %mul3A_110 = arith.constant 16 : i32
      %mul3A_111 = arith.muli %scan3A_105, %mul3A_110 : i32
      %add3A_112 = vector.broadcast %mul3A_111 : i32 to vector<16xi32>
      %add3A_113 = arith.addi %add3A_112, %iota3A : vector<16xi32>
      %get3A_114 = arith.index_cast %add3A_109 : i32 to index
      %get3A_115 = tpu.vector_load %arg8[%get3A_114] {strides = array<i32>} : memref<512xi32, #tpu.memory_space<vmem>>, vector<16xi32>,
      %get3A_116 = arith.index_cast %add3A_109 : i32 to index
      %get3A_117 = tpu.vector_load %arg9[%get3A_116] {strides = array<i32>} : memref<512xi32, #tpu.memory_space<vmem>>, vector<16xi32>,
      %and3A = arith.constant 7 : i32
      %and3A_118 = vector.broadcast %and3A : i32 to vector<16xi32>
      %and3A_119 = arith.andi %get3A_115, %and3A_118 : vector<16xi32>
      %mul3A_120 = arith.constant 16 : i32
      %mul3A_121 = vector.broadcast %mul3A_120 : i32 to vector<16xi32>
      %mul3A_122 = arith.muli %and3A_119, %mul3A_121 : vector<16xi32>
      %and3A_123 = arith.constant 7 : i32
      %and3A_124 = vector.broadcast %and3A_123 : i32 to vector<16xi32>
      %and3A_125 = arith.andi %get3A_117, %and3A_124 : vector<16xi32>
      %mul3A_126 = arith.constant 16 : i32
      %mul3A_127 = vector.broadcast %mul3A_126 : i32 to vector<16xi32>
      %mul3A_128 = arith.muli %and3A_125, %mul3A_127 : vector<16xi32>
      %get3A_129 = arith.index_cast %add3A_109 : i32 to index
      %get3A_130 = tpu.vector_load %arg22[%get3A_129] {strides = array<i32>} : memref<512xf32, #tpu.memory_space<vmem>>, vector<16xf32>,
      %add3A_131 = arith.addf %get3A_29, %get3A_130 : vector<16xf32>
      %get3A_132 = arith.index_cast %add3A_109 : i32 to index
      %get3A_133 = tpu.vector_load %arg23[%get3A_132] {strides = array<i32>} : memref<512xf32, #tpu.memory_space<vmem>>, vector<16xf32>,
      %add3A_134 = arith.addf %add3A_131, %get3A_133 : vector<16xf32>
      %add3A_135 = arith.constant 0 : i32
      %add3A_136 = vector.broadcast %add3A_135 : i32 to vector<16xi32>
      %add3A_137 = arith.addi %mul3A_122, %add3A_136 : vector<16xi32>
      %gather3A = tpu.vector_load_idx %arg18[%add3A_113, %add3A_137] : memref<128x128xf32, #tpu.memory_space<vmem>>[vector<16xi32>, vector<16xi32>], vector<16xf32>,
      %add3A_138 = arith.constant 0 : i32
      %add3A_139 = vector.broadcast %add3A_138 : i32 to vector<16xi32>
      %add3A_140 = arith.addi %mul3A_128, %add3A_139 : vector<16xi32>
      %gather3A_141 = tpu.vector_load_idx %arg19[%add3A_113, %add3A_140] : memref<128x128xf32, #tpu.memory_space<vmem>>[vector<16xi32>, vector<16xi32>], vector<16xf32>,
      %mul3A_142 = arith.mulf %gather3A, %gather3A_141 : vector<16xf32>
      %add3A_143 = arith.addf %add3A_134, %mul3A_142 : vector<16xf32>
      %add3A_144 = arith.constant 1 : i32
      %add3A_145 = vector.broadcast %add3A_144 : i32 to vector<16xi32>
      %add3A_146 = arith.addi %mul3A_122, %add3A_145 : vector<16xi32>
      %gather3A_147 = tpu.vector_load_idx %arg18[%add3A_113, %add3A_146] : memref<128x128xf32, #tpu.memory_space<vmem>>[vector<16xi32>, vector<16xi32>], vector<16xf32>,
      %add3A_148 = arith.constant 1 : i32
      %add3A_149 = vector.broadcast %add3A_148 : i32 to vector<16xi32>
      %add3A_150 = arith.addi %mul3A_128, %add3A_149 : vector<16xi32>
      %gather3A_151 = tpu.vector_load_idx %arg19[%add3A_113, %add3A_150] : memref<128x128xf32, #tpu.memory_space<vmem>>[vector<16xi32>, vector<16xi32>], vector<16xf32>,
      %mul3A_152 = arith.mulf %gather3A_147, %gather3A_151 : vector<16xf32>
      %add3A_153 = arith.addf %add3A_143, %mul3A_152 : vector<16xf32>
      %add3A_154 = arith.constant 2 : i32
      %add3A_155 = vector.broadcast %add3A_154 : i32 to vector<16xi32>
      %add3A_156 = arith.addi %mul3A_122, %add3A_155 : vector<16xi32>
      %gather3A_157 = tpu.vector_load_idx %arg18[%add3A_113, %add3A_156] : memref<128x128xf32, #tpu.memory_space<vmem>>[vector<16xi32>, vector<16xi32>], vector<16xf32>,
      %add3A_158 = arith.constant 2 : i32
      %add3A_159 = vector.broadcast %add3A_158 : i32 to vector<16xi32>
      %add3A_160 = arith.addi %mul3A_128, %add3A_159 : vector<16xi32>
      %gather3A_161 = tpu.vector_load_idx %arg19[%add3A_113, %add3A_160] : memref<128x128xf32, #tpu.memory_space<vmem>>[vector<16xi32>, vector<16xi32>], vector<16xf32>,
      %mul3A_162 = arith.mulf %gather3A_157, %gather3A_161 : vector<16xf32>
      %add3A_163 = arith.addf %add3A_153, %mul3A_162 : vector<16xf32>
      %add3A_164 = arith.constant 3 : i32
      %add3A_165 = vector.broadcast %add3A_164 : i32 to vector<16xi32>
      %add3A_166 = arith.addi %mul3A_122, %add3A_165 : vector<16xi32>
      %gather3A_167 = tpu.vector_load_idx %arg18[%add3A_113, %add3A_166] : memref<128x128xf32, #tpu.memory_space<vmem>>[vector<16xi32>, vector<16xi32>], vector<16xf32>,
      %add3A_168 = arith.constant 3 : i32
      %add3A_169 = vector.broadcast %add3A_168 : i32 to vector<16xi32>
      %add3A_170 = arith.addi %mul3A_128, %add3A_169 : vector<16xi32>
      %gather3A_171 = tpu.vector_load_idx %arg19[%add3A_113, %add3A_170] : memref<128x128xf32, #tpu.memory_space<vmem>>[vector<16xi32>, vector<16xi32>], vector<16xf32>,
      %mul3A_172 = arith.mulf %gather3A_167, %gather3A_171 : vector<16xf32>
      %add3A_173 = arith.addf %add3A_163, %mul3A_172 : vector<16xf32>
      %add3A_174 = arith.constant 4 : i32
      %add3A_175 = vector.broadcast %add3A_174 : i32 to vector<16xi32>
      %add3A_176 = arith.addi %mul3A_122, %add3A_175 : vector<16xi32>
      %gather3A_177 = tpu.vector_load_idx %arg18[%add3A_113, %add3A_176] : memref<128x128xf32, #tpu.memory_space<vmem>>[vector<16xi32>, vector<16xi32>], vector<16xf32>,
      %add3A_178 = arith.constant 4 : i32
      %add3A_179 = vector.broadcast %add3A_178 : i32 to vector<16xi32>
      %add3A_180 = arith.addi %mul3A_128, %add3A_179 : vector<16xi32>
      %gather3A_181 = tpu.vector_load_idx %arg19[%add3A_113, %add3A_180] : memref<128x128xf32, #tpu.memory_space<vmem>>[vector<16xi32>, vector<16xi32>], vector<16xf32>,
      %mul3A_182 = arith.mulf %gather3A_177, %gather3A_181 : vector<16xf32>
      %add3A_183 = arith.addf %add3A_173, %mul3A_182 : vector<16xf32>
      %add3A_184 = arith.constant 5 : i32
      %add3A_185 = vector.broadcast %add3A_184 : i32 to vector<16xi32>
      %add3A_186 = arith.addi %mul3A_122, %add3A_185 : vector<16xi32>
      %gather3A_187 = tpu.vector_load_idx %arg18[%add3A_113, %add3A_186] : memref<128x128xf32, #tpu.memory_space<vmem>>[vector<16xi32>, vector<16xi32>], vector<16xf32>,
      %add3A_188 = arith.constant 5 : i32
      %add3A_189 = vector.broadcast %add3A_188 : i32 to vector<16xi32>
      %add3A_190 = arith.addi %mul3A_128, %add3A_189 : vector<16xi32>
      %gather3A_191 = tpu.vector_load_idx %arg19[%add3A_113, %add3A_190] : memref<128x128xf32, #tpu.memory_space<vmem>>[vector<16xi32>, vector<16xi32>], vector<16xf32>,
      %mul3A_192 = arith.mulf %gather3A_187, %gather3A_191 : vector<16xf32>
      %add3A_193 = arith.addf %add3A_183, %mul3A_192 : vector<16xf32>
      %add3A_194 = arith.constant 6 : i32
      %add3A_195 = vector.broadcast %add3A_194 : i32 to vector<16xi32>
      %add3A_196 = arith.addi %mul3A_122, %add3A_195 : vector<16xi32>
      %gather3A_197 = tpu.vector_load_idx %arg18[%add3A_113, %add3A_196] : memref<128x128xf32, #tpu.memory_space<vmem>>[vector<16xi32>, vector<16xi32>], vector<16xf32>,
      %add3A_198 = arith.constant 6 : i32
      %add3A_199 = vector.broadcast %add3A_198 : i32 to vector<16xi32>
      %add3A_200 = arith.addi %mul3A_128, %add3A_199 : vector<16xi32>
      %gather3A_201 = tpu.vector_load_idx %arg19[%add3A_113, %add3A_200] : memref<128x128xf32, #tpu.memory_space<vmem>>[vector<16xi32>, vector<16xi32>], vector<16xf32>,
      %mul3A_202 = arith.mulf %gather3A_197, %gather3A_201 : vector<16xf32>
      %add3A_203 = arith.addf %add3A_193, %mul3A_202 : vector<16xf32>
      %add3A_204 = arith.constant 7 : i32
      %add3A_205 = vector.broadcast %add3A_204 : i32 to vector<16xi32>
      %add3A_206 = arith.addi %mul3A_122, %add3A_205 : vector<16xi32>
      %gather3A_207 = tpu.vector_load_idx %arg18[%add3A_113, %add3A_206] : memref<128x128xf32, #tpu.memory_space<vmem>>[vector<16xi32>, vector<16xi32>], vector<16xf32>,
      %add3A_208 = arith.constant 7 : i32
      %add3A_209 = vector.broadcast %add3A_208 : i32 to vector<16xi32>
      %add3A_210 = arith.addi %mul3A_128, %add3A_209 : vector<16xi32>
      %gather3A_211 = tpu.vector_load_idx %arg19[%add3A_113, %add3A_210] : memref<128x128xf32, #tpu.memory_space<vmem>>[vector<16xi32>, vector<16xi32>], vector<16xf32>,
      %mul3A_212 = arith.mulf %gather3A_207, %gather3A_211 : vector<16xf32>
      %add3A_213 = arith.addf %add3A_203, %mul3A_212 : vector<16xf32>
      %add3A_214 = arith.constant 8 : i32
      %add3A_215 = vector.broadcast %add3A_214 : i32 to vector<16xi32>
      %add3A_216 = arith.addi %mul3A_122, %add3A_215 : vector<16xi32>
      %gather3A_217 = tpu.vector_load_idx %arg18[%add3A_113, %add3A_216] : memref<128x128xf32, #tpu.memory_space<vmem>>[vector<16xi32>, vector<16xi32>], vector<16xf32>,
      %add3A_218 = arith.constant 8 : i32
      %add3A_219 = vector.broadcast %add3A_218 : i32 to vector<16xi32>
      %add3A_220 = arith.addi %mul3A_128, %add3A_219 : vector<16xi32>
      %gather3A_221 = tpu.vector_load_idx %arg19[%add3A_113, %add3A_220] : memref<128x128xf32, #tpu.memory_space<vmem>>[vector<16xi32>, vector<16xi32>], vector<16xf32>,
      %mul3A_222 = arith.mulf %gather3A_217, %gather3A_221 : vector<16xf32>
      %add3A_223 = arith.addf %add3A_213, %mul3A_222 : vector<16xf32>
      %add3A_224 = arith.constant 9 : i32
      %add3A_225 = vector.broadcast %add3A_224 : i32 to vector<16xi32>
      %add3A_226 = arith.addi %mul3A_122, %add3A_225 : vector<16xi32>
      %gather3A_227 = tpu.vector_load_idx %arg18[%add3A_113, %add3A_226] : memref<128x128xf32, #tpu.memory_space<vmem>>[vector<16xi32>, vector<16xi32>], vector<16xf32>,
      %add3A_228 = arith.constant 9 : i32
      %add3A_229 = vector.broadcast %add3A_228 : i32 to vector<16xi32>
      %add3A_230 = arith.addi %mul3A_128, %add3A_229 : vector<16xi32>
      %gather3A_231 = tpu.vector_load_idx %arg19[%add3A_113, %add3A_230] : memref<128x128xf32, #tpu.memory_space<vmem>>[vector<16xi32>, vector<16xi32>], vector<16xf32>,
      %mul3A_232 = arith.mulf %gather3A_227, %gather3A_231 : vector<16xf32>
      %add3A_233 = arith.addf %add3A_223, %mul3A_232 : vector<16xf32>
      %add3A_234 = arith.constant 10 : i32
      %add3A_235 = vector.broadcast %add3A_234 : i32 to vector<16xi32>
      %add3A_236 = arith.addi %mul3A_122, %add3A_235 : vector<16xi32>
      %gather3A_237 = tpu.vector_load_idx %arg18[%add3A_113, %add3A_236] : memref<128x128xf32, #tpu.memory_space<vmem>>[vector<16xi32>, vector<16xi32>], vector<16xf32>,
      %add3A_238 = arith.constant 10 : i32
      %add3A_239 = vector.broadcast %add3A_238 : i32 to vector<16xi32>
      %add3A_240 = arith.addi %mul3A_128, %add3A_239 : vector<16xi32>
      %gather3A_241 = tpu.vector_load_idx %arg19[%add3A_113, %add3A_240] : memref<128x128xf32, #tpu.memory_space<vmem>>[vector<16xi32>, vector<16xi32>], vector<16xf32>,
      %mul3A_242 = arith.mulf %gather3A_237, %gather3A_241 : vector<16xf32>
      %add3A_243 = arith.addf %add3A_233, %mul3A_242 : vector<16xf32>
      %add3A_244 = arith.constant 11 : i32
      %add3A_245 = vector.broadcast %add3A_244 : i32 to vector<16xi32>
      %add3A_246 = arith.addi %mul3A_122, %add3A_245 : vector<16xi32>
      %gather3A_247 = tpu.vector_load_idx %arg18[%add3A_113, %add3A_246] : memref<128x128xf32, #tpu.memory_space<vmem>>[vector<16xi32>, vector<16xi32>], vector<16xf32>,
      %add3A_248 = arith.constant 11 : i32
      %add3A_249 = vector.broadcast %add3A_248 : i32 to vector<16xi32>
      %add3A_250 = arith.addi %mul3A_128, %add3A_249 : vector<16xi32>
      %gather3A_251 = tpu.vector_load_idx %arg19[%add3A_113, %add3A_250] : memref<128x128xf32, #tpu.memory_space<vmem>>[vector<16xi32>, vector<16xi32>], vector<16xf32>,
      %mul3A_252 = arith.mulf %gather3A_247, %gather3A_251 : vector<16xf32>
      %add3A_253 = arith.addf %add3A_243, %mul3A_252 : vector<16xf32>
      %add3A_254 = arith.constant 12 : i32
      %add3A_255 = vector.broadcast %add3A_254 : i32 to vector<16xi32>
      %add3A_256 = arith.addi %mul3A_122, %add3A_255 : vector<16xi32>
      %gather3A_257 = tpu.vector_load_idx %arg18[%add3A_113, %add3A_256] : memref<128x128xf32, #tpu.memory_space<vmem>>[vector<16xi32>, vector<16xi32>], vector<16xf32>,
      %add3A_258 = arith.constant 12 : i32
      %add3A_259 = vector.broadcast %add3A_258 : i32 to vector<16xi32>
      %add3A_260 = arith.addi %mul3A_128, %add3A_259 : vector<16xi32>
      %gather3A_261 = tpu.vector_load_idx %arg19[%add3A_113, %add3A_260] : memref<128x128xf32, #tpu.memory_space<vmem>>[vector<16xi32>, vector<16xi32>], vector<16xf32>,
      %mul3A_262 = arith.mulf %gather3A_257, %gather3A_261 : vector<16xf32>
      %add3A_263 = arith.addf %add3A_253, %mul3A_262 : vector<16xf32>
      %add3A_264 = arith.constant 13 : i32
      %add3A_265 = vector.broadcast %add3A_264 : i32 to vector<16xi32>
      %add3A_266 = arith.addi %mul3A_122, %add3A_265 : vector<16xi32>
      %gather3A_267 = tpu.vector_load_idx %arg18[%add3A_113, %add3A_266] : memref<128x128xf32, #tpu.memory_space<vmem>>[vector<16xi32>, vector<16xi32>], vector<16xf32>,
      %add3A_268 = arith.constant 13 : i32
      %add3A_269 = vector.broadcast %add3A_268 : i32 to vector<16xi32>
      %add3A_270 = arith.addi %mul3A_128, %add3A_269 : vector<16xi32>
      %gather3A_271 = tpu.vector_load_idx %arg19[%add3A_113, %add3A_270] : memref<128x128xf32, #tpu.memory_space<vmem>>[vector<16xi32>, vector<16xi32>], vector<16xf32>,
      %mul3A_272 = arith.mulf %gather3A_267, %gather3A_271 : vector<16xf32>
      %add3A_273 = arith.addf %add3A_263, %mul3A_272 : vector<16xf32>
      %add3A_274 = arith.constant 14 : i32
      %add3A_275 = vector.broadcast %add3A_274 : i32 to vector<16xi32>
      %add3A_276 = arith.addi %mul3A_122, %add3A_275 : vector<16xi32>
      %gather3A_277 = tpu.vector_load_idx %arg18[%add3A_113, %add3A_276] : memref<128x128xf32, #tpu.memory_space<vmem>>[vector<16xi32>, vector<16xi32>], vector<16xf32>,
      %add3A_278 = arith.constant 14 : i32
      %add3A_279 = vector.broadcast %add3A_278 : i32 to vector<16xi32>
      %add3A_280 = arith.addi %mul3A_128, %add3A_279 : vector<16xi32>
      %gather3A_281 = tpu.vector_load_idx %arg19[%add3A_113, %add3A_280] : memref<128x128xf32, #tpu.memory_space<vmem>>[vector<16xi32>, vector<16xi32>], vector<16xf32>,
      %mul3A_282 = arith.mulf %gather3A_277, %gather3A_281 : vector<16xf32>
      %add3A_283 = arith.addf %add3A_273, %mul3A_282 : vector<16xf32>
      %add3A_284 = arith.constant 15 : i32
      %add3A_285 = vector.broadcast %add3A_284 : i32 to vector<16xi32>
      %add3A_286 = arith.addi %mul3A_122, %add3A_285 : vector<16xi32>
      %gather3A_287 = tpu.vector_load_idx %arg18[%add3A_113, %add3A_286] : memref<128x128xf32, #tpu.memory_space<vmem>>[vector<16xi32>, vector<16xi32>], vector<16xf32>,
      %add3A_288 = arith.constant 15 : i32
      %add3A_289 = vector.broadcast %add3A_288 : i32 to vector<16xi32>
      %add3A_290 = arith.addi %mul3A_128, %add3A_289 : vector<16xi32>
      %gather3A_291 = tpu.vector_load_idx %arg19[%add3A_113, %add3A_290] : memref<128x128xf32, #tpu.memory_space<vmem>>[vector<16xi32>, vector<16xi32>], vector<16xf32>,
      %mul3A_292 = arith.mulf %gather3A_287, %gather3A_291 : vector<16xf32>
      %add3A_293 = arith.addf %add3A_283, %mul3A_292 : vector<16xf32>
      %swap3A = arith.index_cast %add3A_109 : i32 to index
      %swap3A_294 = tpu.vector_load %arg24[%swap3A] {strides = array<i32>} : memref<512xf32, #tpu.memory_space<vmem>>, vector<16xf32>,
      tpu.vector_store %arg24[%swap3A], %add3A_293 {strides = array<i32>} : memref<512xf32, #tpu.memory_space<vmem>>, vector<16xf32>,
    }
    %scan3A_92 = arith.constant 8 : i32
    %dma_wait3A_93 = arith.constant 0 : i32
    %dma_wait3A_94 = arith.constant 0 : i32
    %dma_wait3A_95 = tpu.memref_slice %arg5[%dma_wait3A_93, %dma_wait3A_94] : memref<125000x128xf32, #tpu.memory_space<hbm>> -> memref<125000x128xf32, #tpu.memory_space<hbm>>
    tpu.wait_indirect_dma semaphore(%arg27 : memref<!tpu.dma_semaphore, #tpu.memory_space<semaphore_mem>>) src(%dma_wait3A_95 : memref<125000x128xf32, #tpu.memory_space<hbm>>) dst(%arg20 : memref<128x128xf32, #tpu.memory_space<vmem>>)
    %dma_wait3A_96 = arith.constant 0 : i32
    %dma_wait3A_97 = arith.constant 0 : i32
    %dma_wait3A_98 = tpu.memref_slice %arg5[%dma_wait3A_96, %dma_wait3A_97] : memref<125000x128xf32, #tpu.memory_space<hbm>> -> memref<125000x128xf32, #tpu.memory_space<hbm>>
    tpu.wait_indirect_dma semaphore(%arg27 : memref<!tpu.dma_semaphore, #tpu.memory_space<semaphore_mem>>) src(%dma_wait3A_98 : memref<125000x128xf32, #tpu.memory_space<hbm>>) dst(%arg21 : memref<128x128xf32, #tpu.memory_space<vmem>>)
    %scan3A_99 = arith.constant 0 : i32
    %scan3A_100 = arith.constant 0 : i32
    %scan3A_101 = arith.constant 8 : i32
    %scan3A_102 = arith.addi %scan3A_100, %scan3A_101 : i32
    %scan3A_103 = arith.constant 1 : i32
    scf.for %scan3A_105 = %scan3A_100 to %scan3A_102 step %scan3A_103  : i32 {
      %mul3A_106 = arith.constant 16 : i32
      %mul3A_107 = arith.muli %scan3A_105, %mul3A_106 : i32
      %add3A_108 = arith.constant 384 : i32
      %add3A_109 = arith.addi %add3A_108, %mul3A_107 : i32
      %mul3A_110 = arith.constant 16 : i32
      %mul3A_111 = arith.muli %scan3A_105, %mul3A_110 : i32
      %add3A_112 = vector.broadcast %mul3A_111 : i32 to vector<16xi32>
      %add3A_113 = arith.addi %add3A_112, %iota3A : vector<16xi32>
      %get3A_114 = arith.index_cast %add3A_109 : i32 to index
      %get3A_115 = tpu.vector_load %arg8[%get3A_114] {strides = array<i32>} : memref<512xi32, #tpu.memory_space<vmem>>, vector<16xi32>,
      %get3A_116 = arith.index_cast %add3A_109 : i32 to index
      %get3A_117 = tpu.vector_load %arg9[%get3A_116] {strides = array<i32>} : memref<512xi32, #tpu.memory_space<vmem>>, vector<16xi32>,
      %and3A = arith.constant 7 : i32
      %and3A_118 = vector.broadcast %and3A : i32 to vector<16xi32>
      %and3A_119 = arith.andi %get3A_115, %and3A_118 : vector<16xi32>
      %mul3A_120 = arith.constant 16 : i32
      %mul3A_121 = vector.broadcast %mul3A_120 : i32 to vector<16xi32>
      %mul3A_122 = arith.muli %and3A_119, %mul3A_121 : vector<16xi32>
      %and3A_123 = arith.constant 7 : i32
      %and3A_124 = vector.broadcast %and3A_123 : i32 to vector<16xi32>
      %and3A_125 = arith.andi %get3A_117, %and3A_124 : vector<16xi32>
      %mul3A_126 = arith.constant 16 : i32
      %mul3A_127 = vector.broadcast %mul3A_126 : i32 to vector<16xi32>
      %mul3A_128 = arith.muli %and3A_125, %mul3A_127 : vector<16xi32>
      %get3A_129 = arith.index_cast %add3A_109 : i32 to index
      %get3A_130 = tpu.vector_load %arg22[%get3A_129] {strides = array<i32>} : memref<512xf32, #tpu.memory_space<vmem>>, vector<16xf32>,
      %add3A_131 = arith.addf %get3A_29, %get3A_130 : vector<16xf32>
      %get3A_132 = arith.index_cast %add3A_109 : i32 to index
      %get3A_133 = tpu.vector_load %arg23[%get3A_132] {strides = array<i32>} : memref<512xf32, #tpu.memory_space<vmem>>, vector<16xf32>,
      %add3A_134 = arith.addf %add3A_131, %get3A_133 : vector<16xf32>
      %add3A_135 = arith.constant 0 : i32
      %add3A_136 = vector.broadcast %add3A_135 : i32 to vector<16xi32>
      %add3A_137 = arith.addi %mul3A_122, %add3A_136 : vector<16xi32>
      %gather3A = tpu.vector_load_idx %arg20[%add3A_113, %add3A_137] : memref<128x128xf32, #tpu.memory_space<vmem>>[vector<16xi32>, vector<16xi32>], vector<16xf32>,
      %add3A_138 = arith.constant 0 : i32
      %add3A_139 = vector.broadcast %add3A_138 : i32 to vector<16xi32>
      %add3A_140 = arith.addi %mul3A_128, %add3A_139 : vector<16xi32>
      %gather3A_141 = tpu.vector_load_idx %arg21[%add3A_113, %add3A_140] : memref<128x128xf32, #tpu.memory_space<vmem>>[vector<16xi32>, vector<16xi32>], vector<16xf32>,
      %mul3A_142 = arith.mulf %gather3A, %gather3A_141 : vector<16xf32>
      %add3A_143 = arith.addf %add3A_134, %mul3A_142 : vector<16xf32>
      %add3A_144 = arith.constant 1 : i32
      %add3A_145 = vector.broadcast %add3A_144 : i32 to vector<16xi32>
      %add3A_146 = arith.addi %mul3A_122, %add3A_145 : vector<16xi32>
      %gather3A_147 = tpu.vector_load_idx %arg20[%add3A_113, %add3A_146] : memref<128x128xf32, #tpu.memory_space<vmem>>[vector<16xi32>, vector<16xi32>], vector<16xf32>,
      %add3A_148 = arith.constant 1 : i32
      %add3A_149 = vector.broadcast %add3A_148 : i32 to vector<16xi32>
      %add3A_150 = arith.addi %mul3A_128, %add3A_149 : vector<16xi32>
      %gather3A_151 = tpu.vector_load_idx %arg21[%add3A_113, %add3A_150] : memref<128x128xf32, #tpu.memory_space<vmem>>[vector<16xi32>, vector<16xi32>], vector<16xf32>,
      %mul3A_152 = arith.mulf %gather3A_147, %gather3A_151 : vector<16xf32>
      %add3A_153 = arith.addf %add3A_143, %mul3A_152 : vector<16xf32>
      %add3A_154 = arith.constant 2 : i32
      %add3A_155 = vector.broadcast %add3A_154 : i32 to vector<16xi32>
      %add3A_156 = arith.addi %mul3A_122, %add3A_155 : vector<16xi32>
      %gather3A_157 = tpu.vector_load_idx %arg20[%add3A_113, %add3A_156] : memref<128x128xf32, #tpu.memory_space<vmem>>[vector<16xi32>, vector<16xi32>], vector<16xf32>,
      %add3A_158 = arith.constant 2 : i32
      %add3A_159 = vector.broadcast %add3A_158 : i32 to vector<16xi32>
      %add3A_160 = arith.addi %mul3A_128, %add3A_159 : vector<16xi32>
      %gather3A_161 = tpu.vector_load_idx %arg21[%add3A_113, %add3A_160] : memref<128x128xf32, #tpu.memory_space<vmem>>[vector<16xi32>, vector<16xi32>], vector<16xf32>,
      %mul3A_162 = arith.mulf %gather3A_157, %gather3A_161 : vector<16xf32>
      %add3A_163 = arith.addf %add3A_153, %mul3A_162 : vector<16xf32>
      %add3A_164 = arith.constant 3 : i32
      %add3A_165 = vector.broadcast %add3A_164 : i32 to vector<16xi32>
      %add3A_166 = arith.addi %mul3A_122, %add3A_165 : vector<16xi32>
      %gather3A_167 = tpu.vector_load_idx %arg20[%add3A_113, %add3A_166] : memref<128x128xf32, #tpu.memory_space<vmem>>[vector<16xi32>, vector<16xi32>], vector<16xf32>,
      %add3A_168 = arith.constant 3 : i32
      %add3A_169 = vector.broadcast %add3A_168 : i32 to vector<16xi32>
      %add3A_170 = arith.addi %mul3A_128, %add3A_169 : vector<16xi32>
      %gather3A_171 = tpu.vector_load_idx %arg21[%add3A_113, %add3A_170] : memref<128x128xf32, #tpu.memory_space<vmem>>[vector<16xi32>, vector<16xi32>], vector<16xf32>,
      %mul3A_172 = arith.mulf %gather3A_167, %gather3A_171 : vector<16xf32>
      %add3A_173 = arith.addf %add3A_163, %mul3A_172 : vector<16xf32>
      %add3A_174 = arith.constant 4 : i32
      %add3A_175 = vector.broadcast %add3A_174 : i32 to vector<16xi32>
      %add3A_176 = arith.addi %mul3A_122, %add3A_175 : vector<16xi32>
      %gather3A_177 = tpu.vector_load_idx %arg20[%add3A_113, %add3A_176] : memref<128x128xf32, #tpu.memory_space<vmem>>[vector<16xi32>, vector<16xi32>], vector<16xf32>,
      %add3A_178 = arith.constant 4 : i32
      %add3A_179 = vector.broadcast %add3A_178 : i32 to vector<16xi32>
      %add3A_180 = arith.addi %mul3A_128, %add3A_179 : vector<16xi32>
      %gather3A_181 = tpu.vector_load_idx %arg21[%add3A_113, %add3A_180] : memref<128x128xf32, #tpu.memory_space<vmem>>[vector<16xi32>, vector<16xi32>], vector<16xf32>,
      %mul3A_182 = arith.mulf %gather3A_177, %gather3A_181 : vector<16xf32>
      %add3A_183 = arith.addf %add3A_173, %mul3A_182 : vector<16xf32>
      %add3A_184 = arith.constant 5 : i32
      %add3A_185 = vector.broadcast %add3A_184 : i32 to vector<16xi32>
      %add3A_186 = arith.addi %mul3A_122, %add3A_185 : vector<16xi32>
      %gather3A_187 = tpu.vector_load_idx %arg20[%add3A_113, %add3A_186] : memref<128x128xf32, #tpu.memory_space<vmem>>[vector<16xi32>, vector<16xi32>], vector<16xf32>,
      %add3A_188 = arith.constant 5 : i32
      %add3A_189 = vector.broadcast %add3A_188 : i32 to vector<16xi32>
      %add3A_190 = arith.addi %mul3A_128, %add3A_189 : vector<16xi32>
      %gather3A_191 = tpu.vector_load_idx %arg21[%add3A_113, %add3A_190] : memref<128x128xf32, #tpu.memory_space<vmem>>[vector<16xi32>, vector<16xi32>], vector<16xf32>,
      %mul3A_192 = arith.mulf %gather3A_187, %gather3A_191 : vector<16xf32>
      %add3A_193 = arith.addf %add3A_183, %mul3A_192 : vector<16xf32>
      %add3A_194 = arith.constant 6 : i32
      %add3A_195 = vector.broadcast %add3A_194 : i32 to vector<16xi32>
      %add3A_196 = arith.addi %mul3A_122, %add3A_195 : vector<16xi32>
      %gather3A_197 = tpu.vector_load_idx %arg20[%add3A_113, %add3A_196] : memref<128x128xf32, #tpu.memory_space<vmem>>[vector<16xi32>, vector<16xi32>], vector<16xf32>,
      %add3A_198 = arith.constant 6 : i32
      %add3A_199 = vector.broadcast %add3A_198 : i32 to vector<16xi32>
      %add3A_200 = arith.addi %mul3A_128, %add3A_199 : vector<16xi32>
      %gather3A_201 = tpu.vector_load_idx %arg21[%add3A_113, %add3A_200] : memref<128x128xf32, #tpu.memory_space<vmem>>[vector<16xi32>, vector<16xi32>], vector<16xf32>,
      %mul3A_202 = arith.mulf %gather3A_197, %gather3A_201 : vector<16xf32>
      %add3A_203 = arith.addf %add3A_193, %mul3A_202 : vector<16xf32>
      %add3A_204 = arith.constant 7 : i32
      %add3A_205 = vector.broadcast %add3A_204 : i32 to vector<16xi32>
      %add3A_206 = arith.addi %mul3A_122, %add3A_205 : vector<16xi32>
      %gather3A_207 = tpu.vector_load_idx %arg20[%add3A_113, %add3A_206] : memref<128x128xf32, #tpu.memory_space<vmem>>[vector<16xi32>, vector<16xi32>], vector<16xf32>,
      %add3A_208 = arith.constant 7 : i32
      %add3A_209 = vector.broadcast %add3A_208 : i32 to vector<16xi32>
      %add3A_210 = arith.addi %mul3A_128, %add3A_209 : vector<16xi32>
      %gather3A_211 = tpu.vector_load_idx %arg21[%add3A_113, %add3A_210] : memref<128x128xf32, #tpu.memory_space<vmem>>[vector<16xi32>, vector<16xi32>], vector<16xf32>,
      %mul3A_212 = arith.mulf %gather3A_207, %gather3A_211 : vector<16xf32>
      %add3A_213 = arith.addf %add3A_203, %mul3A_212 : vector<16xf32>
      %add3A_214 = arith.constant 8 : i32
      %add3A_215 = vector.broadcast %add3A_214 : i32 to vector<16xi32>
      %add3A_216 = arith.addi %mul3A_122, %add3A_215 : vector<16xi32>
      %gather3A_217 = tpu.vector_load_idx %arg20[%add3A_113, %add3A_216] : memref<128x128xf32, #tpu.memory_space<vmem>>[vector<16xi32>, vector<16xi32>], vector<16xf32>,
      %add3A_218 = arith.constant 8 : i32
      %add3A_219 = vector.broadcast %add3A_218 : i32 to vector<16xi32>
      %add3A_220 = arith.addi %mul3A_128, %add3A_219 : vector<16xi32>
      %gather3A_221 = tpu.vector_load_idx %arg21[%add3A_113, %add3A_220] : memref<128x128xf32, #tpu.memory_space<vmem>>[vector<16xi32>, vector<16xi32>], vector<16xf32>,
      %mul3A_222 = arith.mulf %gather3A_217, %gather3A_221 : vector<16xf32>
      %add3A_223 = arith.addf %add3A_213, %mul3A_222 : vector<16xf32>
      %add3A_224 = arith.constant 9 : i32
      %add3A_225 = vector.broadcast %add3A_224 : i32 to vector<16xi32>
      %add3A_226 = arith.addi %mul3A_122, %add3A_225 : vector<16xi32>
      %gather3A_227 = tpu.vector_load_idx %arg20[%add3A_113, %add3A_226] : memref<128x128xf32, #tpu.memory_space<vmem>>[vector<16xi32>, vector<16xi32>], vector<16xf32>,
      %add3A_228 = arith.constant 9 : i32
      %add3A_229 = vector.broadcast %add3A_228 : i32 to vector<16xi32>
      %add3A_230 = arith.addi %mul3A_128, %add3A_229 : vector<16xi32>
      %gather3A_231 = tpu.vector_load_idx %arg21[%add3A_113, %add3A_230] : memref<128x128xf32, #tpu.memory_space<vmem>>[vector<16xi32>, vector<16xi32>], vector<16xf32>,
      %mul3A_232 = arith.mulf %gather3A_227, %gather3A_231 : vector<16xf32>
      %add3A_233 = arith.addf %add3A_223, %mul3A_232 : vector<16xf32>
      %add3A_234 = arith.constant 10 : i32
      %add3A_235 = vector.broadcast %add3A_234 : i32 to vector<16xi32>
      %add3A_236 = arith.addi %mul3A_122, %add3A_235 : vector<16xi32>
      %gather3A_237 = tpu.vector_load_idx %arg20[%add3A_113, %add3A_236] : memref<128x128xf32, #tpu.memory_space<vmem>>[vector<16xi32>, vector<16xi32>], vector<16xf32>,
      %add3A_238 = arith.constant 10 : i32
      %add3A_239 = vector.broadcast %add3A_238 : i32 to vector<16xi32>
      %add3A_240 = arith.addi %mul3A_128, %add3A_239 : vector<16xi32>
      %gather3A_241 = tpu.vector_load_idx %arg21[%add3A_113, %add3A_240] : memref<128x128xf32, #tpu.memory_space<vmem>>[vector<16xi32>, vector<16xi32>], vector<16xf32>,
      %mul3A_242 = arith.mulf %gather3A_237, %gather3A_241 : vector<16xf32>
      %add3A_243 = arith.addf %add3A_233, %mul3A_242 : vector<16xf32>
      %add3A_244 = arith.constant 11 : i32
      %add3A_245 = vector.broadcast %add3A_244 : i32 to vector<16xi32>
      %add3A_246 = arith.addi %mul3A_122, %add3A_245 : vector<16xi32>
      %gather3A_247 = tpu.vector_load_idx %arg20[%add3A_113, %add3A_246] : memref<128x128xf32, #tpu.memory_space<vmem>>[vector<16xi32>, vector<16xi32>], vector<16xf32>,
      %add3A_248 = arith.constant 11 : i32
      %add3A_249 = vector.broadcast %add3A_248 : i32 to vector<16xi32>
      %add3A_250 = arith.addi %mul3A_128, %add3A_249 : vector<16xi32>
      %gather3A_251 = tpu.vector_load_idx %arg21[%add3A_113, %add3A_250] : memref<128x128xf32, #tpu.memory_space<vmem>>[vector<16xi32>, vector<16xi32>], vector<16xf32>,
      %mul3A_252 = arith.mulf %gather3A_247, %gather3A_251 : vector<16xf32>
      %add3A_253 = arith.addf %add3A_243, %mul3A_252 : vector<16xf32>
      %add3A_254 = arith.constant 12 : i32
      %add3A_255 = vector.broadcast %add3A_254 : i32 to vector<16xi32>
      %add3A_256 = arith.addi %mul3A_122, %add3A_255 : vector<16xi32>
      %gather3A_257 = tpu.vector_load_idx %arg20[%add3A_113, %add3A_256] : memref<128x128xf32, #tpu.memory_space<vmem>>[vector<16xi32>, vector<16xi32>], vector<16xf32>,
      %add3A_258 = arith.constant 12 : i32
      %add3A_259 = vector.broadcast %add3A_258 : i32 to vector<16xi32>
      %add3A_260 = arith.addi %mul3A_128, %add3A_259 : vector<16xi32>
      %gather3A_261 = tpu.vector_load_idx %arg21[%add3A_113, %add3A_260] : memref<128x128xf32, #tpu.memory_space<vmem>>[vector<16xi32>, vector<16xi32>], vector<16xf32>,
      %mul3A_262 = arith.mulf %gather3A_257, %gather3A_261 : vector<16xf32>
      %add3A_263 = arith.addf %add3A_253, %mul3A_262 : vector<16xf32>
      %add3A_264 = arith.constant 13 : i32
      %add3A_265 = vector.broadcast %add3A_264 : i32 to vector<16xi32>
      %add3A_266 = arith.addi %mul3A_122, %add3A_265 : vector<16xi32>
      %gather3A_267 = tpu.vector_load_idx %arg20[%add3A_113, %add3A_266] : memref<128x128xf32, #tpu.memory_space<vmem>>[vector<16xi32>, vector<16xi32>], vector<16xf32>,
      %add3A_268 = arith.constant 13 : i32
      %add3A_269 = vector.broadcast %add3A_268 : i32 to vector<16xi32>
      %add3A_270 = arith.addi %mul3A_128, %add3A_269 : vector<16xi32>
      %gather3A_271 = tpu.vector_load_idx %arg21[%add3A_113, %add3A_270] : memref<128x128xf32, #tpu.memory_space<vmem>>[vector<16xi32>, vector<16xi32>], vector<16xf32>,
      %mul3A_272 = arith.mulf %gather3A_267, %gather3A_271 : vector<16xf32>
      %add3A_273 = arith.addf %add3A_263, %mul3A_272 : vector<16xf32>
      %add3A_274 = arith.constant 14 : i32
      %add3A_275 = vector.broadcast %add3A_274 : i32 to vector<16xi32>
      %add3A_276 = arith.addi %mul3A_122, %add3A_275 : vector<16xi32>
      %gather3A_277 = tpu.vector_load_idx %arg20[%add3A_113, %add3A_276] : memref<128x128xf32, #tpu.memory_space<vmem>>[vector<16xi32>, vector<16xi32>], vector<16xf32>,
      %add3A_278 = arith.constant 14 : i32
      %add3A_279 = vector.broadcast %add3A_278 : i32 to vector<16xi32>
      %add3A_280 = arith.addi %mul3A_128, %add3A_279 : vector<16xi32>
      %gather3A_281 = tpu.vector_load_idx %arg21[%add3A_113, %add3A_280] : memref<128x128xf32, #tpu.memory_space<vmem>>[vector<16xi32>, vector<16xi32>], vector<16xf32>,
      %mul3A_282 = arith.mulf %gather3A_277, %gather3A_281 : vector<16xf32>
      %add3A_283 = arith.addf %add3A_273, %mul3A_282 : vector<16xf32>
      %add3A_284 = arith.constant 15 : i32
      %add3A_285 = vector.broadcast %add3A_284 : i32 to vector<16xi32>
      %add3A_286 = arith.addi %mul3A_122, %add3A_285 : vector<16xi32>
      %gather3A_287 = tpu.vector_load_idx %arg20[%add3A_113, %add3A_286] : memref<128x128xf32, #tpu.memory_space<vmem>>[vector<16xi32>, vector<16xi32>], vector<16xf32>,
      %add3A_288 = arith.constant 15 : i32
      %add3A_289 = vector.broadcast %add3A_288 : i32 to vector<16xi32>
      %add3A_290 = arith.addi %mul3A_128, %add3A_289 : vector<16xi32>
      %gather3A_291 = tpu.vector_load_idx %arg21[%add3A_113, %add3A_290] : memref<128x128xf32, #tpu.memory_space<vmem>>[vector<16xi32>, vector<16xi32>], vector<16xf32>,
      %mul3A_292 = arith.mulf %gather3A_287, %gather3A_291 : vector<16xf32>
      %add3A_293 = arith.addf %add3A_283, %mul3A_292 : vector<16xf32>
      %swap3A = arith.index_cast %add3A_109 : i32 to index
      %swap3A_294 = tpu.vector_load %arg24[%swap3A] {strides = array<i32>} : memref<512xf32, #tpu.memory_space<vmem>>, vector<16xf32>,
      tpu.vector_store %arg24[%swap3A], %add3A_293 {strides = array<i32>} : memref<512xf32, #tpu.memory_space<vmem>>, vector<16xf32>,
    }
    %scan3A_104 = arith.constant 8 : i32
    "tpu.region"() ({
      %run_scoped3A = tpu.sem_alloc : memref<!tpu.dma_semaphore, #tpu.memory_space<semaphore_mem>>
      %dma_start3A_105 = tpu.memref_slice %arg7[%mul3A_2] : memref<16384xf32, #tpu.memory_space<hbm>> -> memref<512xf32, #tpu.memory_space<hbm>>
      %dma_start3A_106 = tpu.memref_slice %arg7[%mul3A_2] : memref<16384xf32, #tpu.memory_space<hbm>> -> memref<512xf32, #tpu.memory_space<hbm>>
      tpu.enqueue_dma source(%arg24 : memref<512xf32, #tpu.memory_space<vmem>>) target(%dma_start3A_106 : memref<512xf32, #tpu.memory_space<hbm>>) target_semaphore(%run_scoped3A : memref<!tpu.dma_semaphore, #tpu.memory_space<semaphore_mem>>)
      %dma_wait3A_107 = tpu.memref_slice %arg7[%mul3A_2] : memref<16384xf32, #tpu.memory_space<hbm>> -> memref<512xf32, #tpu.memory_space<hbm>>
      %dma_wait3A_108 = tpu.memref_slice %arg7[%mul3A_2] : memref<16384xf32, #tpu.memory_space<hbm>> -> memref<512xf32, #tpu.memory_space<hbm>>
      tpu.wait_dma2 semaphore(%run_scoped3A : memref<!tpu.dma_semaphore, #tpu.memory_space<semaphore_mem>>) src(%arg24 : memref<512xf32, #tpu.memory_space<vmem>>) dst(%dma_wait3A_108 : memref<512xf32, #tpu.memory_space<hbm>>)
      tpu.yield
    }) : () -> ()
    return
  }
}

</mosaic_0001>

<sc_bundles>
// kernel: kernel.3.cloned.1.call-start
scs
__scs_entry_jumppad:
0x0: {  	(pc) =	sbr.rel $0x88, $3  }
0x1: {  	(tag) =	ssettag $0x0;
	lr =	simm.s32 $0x1  }
0x2: {  	[smem:$0x3F9D] =	sst lr;
	_ =	strace $0xD0000000  }
0x3: {  	_ = 	snop  }
0x4: {  	_ = 	snop  }
0x5: {  	_ = 	snop  }
0x6: {  	_ = 	snop  }
0x7: {  	_ = 	snop  }
__scs_overlays_trampoline_lowered:
0x8: {  	[smem:$0x3FAC] =	sst s0  }
0x9: {  	[smem:$0x3FAD] =	sst s1  }
0xa: {  	[smem:$0x3FAE] =	sst s2  }
0xb: {  	[smem:$0x3FAF] =	sst s3  }
0xc: {  	[smem:$0x3FB0] =	sst s4  }
0xd: {  	[smem:$0x3FB1] =	sst s5  }
0xe: {  	[smem:$0x3FB2] =	sst s6  }
0xf: {  	[smem:$0x3FB3] =	sst s7  }
0x10: {  	[smem:$0x3FB4] =	sst s8  }
0x11: {  	[smem:$0x3FB5] =	sst s9;
	s0 =	simm.s32 @!p0 $0x0  }
0x12: {  	s1 =	sld [smem:$0x3F9B];
	s0 =	simm.s32 @p0 $0x1  }
0x13: {  	[smem:$0x3FB6] =	sst s0;
	s0 =	simm.s32 @!p1 $0x0  }
0x14: {  	s2 =	sld [smem:$0x3F9A];
	s0 =	simm.s32 @p1 $0x1  }
0x15: {  	[smem:$0x3FB7] =	sst s0;
	s0 =	simm.s32 @!p2 $0x0  }
0x16: {  	s3 =	sld [smem:$0x3FDB];
	s0 =	simm.s32 @p2 $0x1  }
0x17: {  	s4 =	simm.s32 $0x1BF5;
	[smem:$0x3FB9] =	sst s0  }
0x18: {  	s0 =	sld [smem:$0x3F9C];
	_ =	swait.ge [sflag:s4], $0x0  }
0x19: {  	s7 =	sld [smem:$0x3F9D]  }
0x1a: {  	s8 =	sadd.s32 $0xFFFFE003, lr  }
0x1b: {  	s9 =	sadd.s32 $0xFFFFFEF7, lr;
	s5 =	simm.s32 $0xFFFFFFFF;
	p2 =	slt.u32 s8, $0xFFFFF086  }
0x1c: {  	p1 =	slt.u32 s9, $0xF7A;
	s5 =	simm.s32 @!p2 $0x0  }
0x1d: {  	s5 =	simm.s32 @p1 $0x1;
	p0 =	seq.s32 s7, s2  }
0x1e: {  	s7 =	smul.u32 @!p0 $0xF7A, s2;
	p2 =	seq.s32 @!p0 s5, $0x0  }
0x1f: {  	s9 =	smul.u32 $0xF7A, s1;
	s8 =	simm.s32 @!p0 $0x1BF5;
	p2 =	por !p2, p0  }
0x20: {  	[sflag:s8] =	ssyncset.s32 @!p0 $0xFFFFF086;
	s6 =	sadd.s32 @!p0 s3, s7;
	s7 =	simm.s32 @!p0 $0x108  }
0x21: {  	s3 =	sadd.s32 s3, s9;
	s6 =	sadd.s32 @!p0 $0x88, s6;
	s7 =	simm.s32 @p2 $0x1082  }
0x22: {  	[simem:s7], [sflag:s8] =	dma.local @!p0 [hbm:s6], $0xF7A  }
0x23: {  	s9 =	sor.u32 $0xD0000000, s2;
	s6 =	simm.s32 $0x108;
	_ =	swait.ge @!p0 [sflag:s8], $0x0  }
0x24: {  	s3 =	sadd.s32 $0x88, s3;
	s6 =	simm.s32 @!p1 $0x1082;
	[sflag:s4] =	ssyncset.s32 $0xFFFFF086  }
0x25: {  	[simem:s6], [sflag:s4] =	dma.local [hbm:s3], $0xF7A  }
0x26: {  	[smem:$0x3F9D] =	sst s1;
	(tag) =	ssettag s2;
	_ =	strace s9  }
0x27: {  	s1 =	sld [smem:$0x3FAD]  }
0x28: {  	s2 =	sld [smem:$0x3FAE]  }
0x29: {  	s4 =	sld [smem:$0x3FB0]  }
0x2a: {  	p0 =	seq.s32 s5, $0x0;
	s5 =	sld [smem:$0x3FB1]  }
0x2b: {  	s6 =	sld [smem:$0x3FB2]  }
0x2c: {  	s7 =	sld [smem:$0x3FB3]  }
0x2d: {  	s3 =	simm.s32 $0x108;
	s8 =	sld [smem:$0x3FB4]  }
0x2e: {  	s3 =	simm.s32 @!p0 $0x1082;
	s9 =	sld [smem:$0x3FB5]  }
0x2f: {  	lr =	sadd.s32 s0, s3;
	s0 =	sld [smem:$0x3FAC]  }
0x30: {  	s3 =	sld [smem:$0x3FAF]  }
0x31: {  	[smem:$0x3FB8] =	sst s10  }
0x32: {  	s10 =	sld [smem:$0x3FB6];
	_ =	sdelay $0x3  }
0x33: {  	p0 =	seq.s32 s10, $0x1;
	s10 =	sld [smem:$0x3FB8];
	_ =	sdelay $0x3  }
0x34: {  	[smem:$0x3FB8] =	sst s10  }
0x35: {  	s10 =	sld [smem:$0x3FB7];
	_ =	sdelay $0x3  }
0x36: {  	p1 =	seq.s32 s10, $0x1;
	s10 =	sld [smem:$0x3FB8];
	_ =	sdelay $0x3  }
0x37: {  	[smem:$0x3FB8] =	sst s10  }
0x38: {  	s10 =	sld [smem:$0x3FB9]  }
0x39: {  	_ = 	snop;
	(pc) =	sbr.ind lr, $3  }
0x3a: {  	_ = 	snop  }
0x3b: {  	_ = 	snop  }
0x3c: {  	p2 =	seq.s32 s10, $0x1;
	s10 =	sld [smem:$0x3FB8]  }
0x3d: {  	_ =	shalt  }
0x3e: {  	_ =	shalt  }
0x3f: {  	_ =	shalt  }
0x40: {  	_ =	shalt  }
0x41: {  	_ =	shalt  }
0x42: {  	_ =	shalt  }
0x43: {  	_ =	shalt  }
0x44: {  	_ =	shalt  }
0x45: {  	_ =	shalt  }
0x46: {  	_ =	shalt  }
0x47: {  	_ =	shalt  }
0x48: {  	_ =	shalt  }
0x49: {  	_ =	shalt  }
0x4a: {  	_ =	shalt  }
0x4b: {  	_ =	shalt  }
0x4c: {  	_ =	shalt  }
0x4d: {  	_ =	shalt  }
0x4e: {  	_ =	shalt  }
0x4f: {  	_ =	shalt  }
0x50: {  	_ =	shalt  }
0x51: {  	_ =	shalt  }
0x52: {  	_ =	shalt  }
0x53: {  	_ =	shalt  }
0x54: {  	_ =	shalt  }
0x55: {  	_ =	shalt  }
0x56: {  	_ =	shalt  }
0x57: {  	_ =	shalt  }
0x58: {  	_ =	shalt  }
0x59: {  	_ =	shalt  }
0x5a: {  	_ =	shalt  }
0x5b: {  	_ =	shalt  }
0x5c: {  	_ =	shalt  }
0x5d: {  	_ =	shalt  }
0x5e: {  	_ =	shalt  }
0x5f: {  	_ =	shalt  }
0x60: {  	_ =	shalt  }
0x61: {  	_ =	shalt  }
0x62: {  	_ =	shalt  }
0x63: {  	_ =	shalt  }
0x64: {  	_ =	shalt  }
0x65: {  	_ =	shalt  }
0x66: {  	_ =	shalt  }
0x67: {  	_ =	shalt  }
0x68: {  	_ =	shalt  }
0x69: {  	_ =	shalt  }
0x6a: {  	_ =	shalt  }
0x6b: {  	_ =	shalt  }
0x6c: {  	_ =	shalt  }
0x6d: {  	_ =	shalt  }
0x6e: {  	_ =	shalt  }
0x6f: {  	_ =	shalt  }
0x70: {  	_ =	shalt  }
0x71: {  	_ =	shalt  }
0x72: {  	_ =	shalt  }
0x73: {  	_ =	shalt  }
0x74: {  	_ =	shalt  }
0x75: {  	_ =	shalt  }
0x76: {  	_ =	shalt  }
0x77: {  	_ =	shalt  }
0x78: {  	_ =	shalt  }
0x79: {  	_ =	shalt  }
0x7a: {  	_ =	shalt  }
0x7b: {  	_ =	shalt  }
0x7c: {  	_ =	shalt  }
0x7d: {  	_ =	shalt  }
0x7e: {  	_ =	shalt  }
0x7f: {  	_ =	shalt  }
0x80: {  	_ =	shalt  }
0x81: {  	_ =	shalt  }
0x82: {  	_ =	shalt  }
0x83: {  	_ =	shalt  }
0x84: {  	_ =	shalt  }
0x85: {  	_ =	shalt  }
0x86: {  	_ =	shalt  }
0x87: {  	_ =	shalt  }
.Lfunc_end0:
.L_simem_size_0:
called_computation_lowered:
.L_overlay_start_0:
0x88: {  	s2 =	sld [smem:$0x3FD9]  }
0x89: {  	s3 =	sld [smem:$0x3FFE];
	_ =	sdelay $0x1  }
0x8a: {  	s1 =	srdreg.scid  }
0x8b: {  	s0 =	sand.u32 $0x1, s1  }
0x8c: {  	s17 =	sshll.u32 s0, $0xA;
	s2 =	sadd.s32 s3, s2  }
0x8d: {  	s2 =	sadd.s32 s2, s17  }
0x8e: {  	[smem:$0x3FC4] =	sst s2  }
0x8f: {  	_ = 	snop  }
0x90: {  	s2 =	sld [smem:$0x3FC7]  }
0x91: {  	s18 =	sld [smem:$0x3FD0];
	(tm) =	ssettm $0x1  }
0x92: {  	s4 =	sld [smem:$0x3FFB];
	_ =	sdelay $0x3  }
0x93: {  	_ =	strace s4  }
0x94: {  	s4 =	sld [smem:$0x3FFC];
	_ =	sdelay $0x3  }
0x95: {  	_ =	strace s4  }
0x96: {  	s4 =	sld [smem:$0x3FFD];
	_ =	sdelay $0x3  }
0x97: {  	_ =	strace s4  }
0x98: {  	_ =	strace $0x8FFFFFFF  }
0x99: {  	s19 =	sld [smem:$0x3FDB];
	_ =	sdelay $0x1  }
0x9a: {  	s5 =	simm.s32 $_scs_section_size  }
0x9b: {  	s6 =	simm.s32 $_size__tile_overlayer_lowered;
	s7 =	simm.s32 $_tile_overlayer_lowered  }
0x9c: {  	s22 =	simm.s32 $0x1BFF;
	s21 =	sshll.u32 s7, $0x1;
	s4 =	sadd.s32 s5, s19  }
0x9d: {  	s8 =	simm.s32 $0x0;
	s20 =	sshll.u32 s6, $0x1;
	s6 =	sadd.s32 s21, s4  }
0x9e: {  	[timem:s8], [sflag:s22] =	dma.local [hbm:s6], s20  }
0x9f: {  	_ =	swait.ge [sflag:s22], s20  }
0xa0: {  	s5 =	ssub.s32 $0x0, s20;
	[sflag:s22] =	ssyncset.done $0x0  }
0xa1: {  	[sflag:s22] =	ssyncadd.s32 s5;
	_ =	sdelay $0x1  }
0xa2: {  	s23 =	simm.s32 $0x1B8B  }
0xa3: {  	_ =	swait.ge [sflag:s23], $0x1  }
0xa4: {  	[sflag:s23] =	ssyncset.done $0x0  }
0xa5: {  	s25 =	simm.s32 $0x1B8E;
	s24 =	sld [smem:$0x3FFE];
	[sflag:s23] =	ssyncadd.s32 $0xFFFFFFFF  }
0xa6: {  	s26 =	simm.s32 $execute0_lowered;
	[smem:$0x3FD2] =	sst s25  }
0xa7: {  	s6 =	sshll.u32 s26, $0x1;
	_ =	strace $0x80000046;
	[dreg:$0x1] =	wrdreg $0xFFFFFFFF  }
0xa8: {  	s28 =	simm.s32 $_size_execute0_lowered;
	s4 =	sadd.s32 s4, s6;
	[dreg:$0x0] =	wrdreg $0x0  }
0xa9: {  	s6 =	sshll.u32 s28, $0x1;
	[dreg:$0x2] =	wrdreg s4  }
0xaa: {  	[dreg:$0x3] =	wrdreg s6  }
0xab: {  	[dreg:$0x4] =	wrdreg $0xC0  }
0xac: {  	_ =	task [dreg:s8], $0x5FFFF  }
0xad: {  	[dreg:$0x1] =	wrdreg $0xFFFFFFFF  }
0xae: {  	[dreg:$0x0] =	wrdreg $0x60  }
0xaf: {  	[dreg:$0x2] =	wrdreg s24  }
0xb0: {  	[dreg:$0x3] =	wrdreg s2  }
0xb1: {  	[dreg:$0x4] =	wrdreg s18  }
0xb2: {  	[dreg:$0x5] =	wrdreg $0x9  }
0xb3: {  	_ =	task.clear_ibuf [dreg:s8], $0x6FFFF;
	_ =	strace $0x90000046  }
0xb4: {  	s29 =	simm.s32 $0x9;
	_ =	strace $0x80000048  }
0xb5: {  	_ =	swait.ge [sflag:s29], $0x1  }
0xb6: {  	[sflag:s29] =	ssyncadd.s32 $0xFFFFFFFF  }
0xb7: {  	_ =	strace $0x90000048  }
0xb8: {  	_ =	sfence  }
0xb9: {  	s30 =	sld [smem:$0x0];
	_ =	sdelay $0x2  }
0xba: {  	s31 =	sshll.u32 s1, $0xD;
	s1 =	sshrl.u32 s1, $0x2  }
0xbb: {  	s3 =	sand.u32 $0x4000, s31;
	s1 =	sadd.s32 s1, s30  }
0xbc: {  	s0 =	sor.u32 s3, s0;
	s1 =	sshll.u32 s1, $0x11  }
0xbd: {  	s0 =	sor.u32 s1, s0  }
0xbe: {  	s0 =	sadd.s32 $0x8F2B, s0  }
0xbf: {  	[sflag:s0] =	ssyncadd.remote.s32 $0x1  }
0xc0: {  	_ =	sfence.sel $0xFFFF  }
0xc1: {  	[dreg:$0x0] =	wrdreg $0xFFFFFFFF;
	(pc) =	sbr.abs _section_cstart, $3  }
0xc2: {  	[dreg:$0x1] =	wrdreg $0xFFFFFFFF  }
0xc3: {  	_ =	task.clear_ibuf [dreg:s8], $0x2FFFF;
	_ =	strace $0x9FFFFFFF  }
0xc4: {  	(tm) =	ssettm $0x7FFFFFFF  }
0xc5: {  	_ =	shalt  }
tec
execute0_lowered:
.L_overlay_start_1:
0x0: {  	(tag) =	ssettag $0x1  }
0x1: {  	s0 =	rddreg [dreg:$0x0]  }
0x2: {  	s2 =	rddreg [dreg:$0x1]  }
0x3: {  	s1 =	rddreg [dreg:$0x2]  }
0x4: {  	s3 =	srdreg.scid;
	s5 =	stileid.u32  }
0x5: {  	s10 =	simm.s32 $0x3;
	s12 =	simm.s32 $0x80;
	s14 =	simm.s32 $0x800  }
0x6: {  	s16 =	simm.s32 $0x4800;
	s17 =	simm.s32 $0x480;
	s18 =	simm.s32 $0x8800  }
0x7: {  	s19 =	simm.s32 $0x680;
	s20 =	simm.s32 $0xC800;
	s21 =	simm.s32 $0x2  }
0x8: {  	s22 =	simm.s32 $0x1;
	s23 =	simm.s32 $0x500;
	s24 =	simm.s32 $0x700  }
0x9: {  	s25 =	simm.s32 $0x580;
	s26 =	simm.s32 $0x780;
	s28 =	simm.s32 $0x10C00  }
0xa: {  	s29 =	simm.s32 $0x0;
	s4 =	sand.u32 $0x1, s3;
	s3 =	simm.s32 $0x0  }
0xb: {  	s5 =	sshll.u32 s5, $0x7;
	s6 =	sshll.u32 s4, $0x6;
	[smem:$0x7FF] =	sst s3  }
0xc: {  	s30 =	ssub.s32 $0x2, s4;
	s4 =	sadd.s32 $0xF43A00, s0;
	s8 =	sor.u32 s6, s5  }
0xd: {  	_ =	strace $0x80000047;
	s5 =	sadd.s32 $0x1600, s0;
	s31 =	sshrl.u32 s30, $0x1  }
0xe: {  	v0 =	vlaneseq.u32;
	s7 =	sadd.s32 s8, s0;
	s0 =	ssub.s32 s30, s31;
	s8 =	sadd.s32 s1, s8  }
0xf: {  	v0 =	vmul.u32 $0x80, v0;
	s6 =	sadd.s32 $0xE00, s7;
	s7 =	sadd.s32 $0x600, s7;
	s9 =	smax.u32 s0, $0x1  }
.LBB2_1:
0x10: {  	[tilespmem:s3], [sflag:$0x3] =	stream.linear.gather [hbm4b:s6+s3], $0x200, $0x38;
	[tilespmem:$0x10E80] =	vst v63  }
0x11: {  	_ =	swait.ge [sflag:s10], $0x200  }
0x12: {  	[sflag:s10] =	ssyncset.done $0x0  }
0x13: {  	s0 =	simm.s32 $0x200;
	[sflag:s10] =	ssyncadd.s32 $0xFFFFFE00  }
0x14: {  	[tilespmem:s0], [sflag:$0x3] =	stream.linear.gather [hbm4b:s7+s3], $0x200, $0x38;
	[tilespmem:$0x10E80] =	vst v63  }
0x15: {  	_ =	swait.ge [sflag:s10], $0x200  }
0x16: {  	[sflag:s10] =	ssyncset.done $0x0  }
0x17: {  	s30 =	simm.s32 $0x10800;
	[sflag:s10] =	ssyncadd.s32 $0xFFFFFE00  }
0x18: {  	[tilespmem:s30], [sflag:$0x2] =	stream.indirect.gather [hbm4b:s2+s0], $0x1, s3, s0, $0xb8;
	[tilespmem:$0x10E80] =	vst v63  }
0x19: {  	s31 =	simm.s32 $0x10A00  }
0x1a: {  	[tilespmem:s31], [sflag:$0x2] =	stream.indirect.gather [hbm4b:s2+s0], $0x1, s0, s0, $0xb8;
	[tilespmem:$0x10E80] =	vst v63  }
0x1b: {  	v1 =	vld [tilespmem:$0x0]  }
0x1c: {  	v2 =	vld [tilespmem:$0x200]  }
0x1d: {  	v3 =	vld [tilespmem:$0x10]  }
0x1e: {  	v4 =	vld [tilespmem:$0x210]  }
0x1f: {  	v5 =	vld [tilespmem:$0x20]  }
0x20: {  	v6 =	vld [tilespmem:$0x220];
	v1 =	vshrl.u32 v1, $0x3  }
0x21: {  	[tilespmem:$0x400] =	vst v1;
	v1 =	vshrl.u32 v2, $0x3;
	v2 =	vld [tilespmem:$0x30]  }
0x22: {  	[tilespmem:$0x600] =	vst v1;
	v1 =	vshrl.u32 v3, $0x3;
	v3 =	vld [tilespmem:$0x230]  }
0x23: {  	[tilespmem:$0x410] =	vst v1;
	v1 =	vshrl.u32 v4, $0x3;
	v4 =	vld [tilespmem:$0x40]  }
0x24: {  	[tilespmem:$0x610] =	vst v1;
	v1 =	vshrl.u32 v5, $0x3;
	v5 =	vld [tilespmem:$0x240]  }
0x25: {  	v19 =	vld [tilespmem:$0x50];
	[tilespmem:$0x420] =	vst v1;
	v1 =	vshrl.u32 v6, $0x3  }
0x26: {  	[tilespmem:$0x620] =	vst v1;
	v1 =	vshrl.u32 v2, $0x3;
	v2 =	vld [tilespmem:$0x250]  }
0x27: {  	[tilespmem:$0x430] =	vst v1;
	v1 =	vshrl.u32 v3, $0x3;
	v3 =	vld [tilespmem:$0x60]  }
0x28: {  	[tilespmem:$0x630] =	vst v1;
	v1 =	vshrl.u32 v4, $0x3;
	v4 =	vld [tilespmem:$0x260]  }
0x29: {  	[tilespmem:$0x440] =	vst v1;
	v1 =	vshrl.u32 v5, $0x3;
	v5 =	vld [tilespmem:$0x70]  }
0x2a: {  	v20 =	vld [tilespmem:$0x270];
	[tilespmem:$0x640] =	vst v1;
	v1 =	vshrl.u32 v19, $0x3  }
0x2b: {  	[tilespmem:$0x450] =	vst v1;
	v1 =	vshrl.u32 v2, $0x3;
	v2 =	vld [tilespmem:$0x80]  }
0x2c: {  	[tilespmem:$0x650] =	vst v1;
	v1 =	vshrl.u32 v3, $0x3;
	v3 =	vld [tilespmem:$0x280]  }
0x2d: {  	[tilespmem:$0x460] =	vst v1;
	v1 =	vshrl.u32 v4, $0x3;
	v4 =	vld [tilespmem:$0x90]  }
0x2e: {  	[tilespmem:$0x660] =	vst v1;
	v1 =	vshrl.u32 v5, $0x3;
	v5 =	vld [tilespmem:$0x290]  }
0x2f: {  	v21 =	vld [tilespmem:$0xA0];
	[tilespmem:$0x470] =	vst v1;
	v1 =	vshrl.u32 v20, $0x3  }
0x30: {  	[tilespmem:$0x670] =	vst v1;
	v1 =	vshrl.u32 v2, $0x3;
	v2 =	vld [tilespmem:$0x2A0]  }
0x31: {  	[tilespmem:$0x480] =	vst v1;
	v1 =	vshrl.u32 v3, $0x3;
	v3 =	vld [tilespmem:$0xB0]  }
0x32: {  	[tilespmem:$0x680] =	vst v1;
	v1 =	vshrl.u32 v4, $0x3;
	v4 =	vld [tilespmem:$0x2B0]  }
0x33: {  	[tilespmem:$0x490] =	vst v1;
	v1 =	vshrl.u32 v5, $0x3;
	v5 =	vld [tilespmem:$0xC0]  }
0x34: {  	v22 =	vld [tilespmem:$0x2C0];
	[tilespmem:$0x690] =	vst v1;
	v1 =	vshrl.u32 v21, $0x3  }
0x35: {  	[tilespmem:$0x4A0] =	vst v1;
	v1 =	vshrl.u32 v2, $0x3;
	v2 =	vld [tilespmem:$0xD0]  }
0x36: {  	[tilespmem:$0x6A0] =	vst v1;
	v1 =	vshrl.u32 v3, $0x3;
	v3 =	vld [tilespmem:$0x2D0]  }
0x37: {  	[tilespmem:$0x4B0] =	vst v1;
	v1 =	vshrl.u32 v4, $0x3;
	v4 =	vld [tilespmem:$0xE0]  }
0x38: {  	[tilespmem:$0x6B0] =	vst v1;
	v1 =	vshrl.u32 v5, $0x3;
	v5 =	vld [tilespmem:$0x2E0]  }
0x39: {  	v23 =	vld [tilespmem:$0xF0];
	[tilespmem:$0x4C0] =	vst v1;
	v1 =	vshrl.u32 v22, $0x3  }
0x3a: {  	[tilespmem:$0x6C0] =	vst v1;
	v1 =	vshrl.u32 v2, $0x3;
	v2 =	vld [tilespmem:$0x2F0]  }
0x3b: {  	[tilespmem:$0x4D0] =	vst v1;
	v1 =	vshrl.u32 v3, $0x3;
	v3 =	vld [tilespmem:$0x100]  }
0x3c: {  	[tilespmem:$0x6D0] =	vst v1;
	v1 =	vshrl.u32 v4, $0x3;
	v4 =	vld [tilespmem:$0x300]  }
0x3d: {  	[tilespmem:$0x4E0] =	vst v1;
	v1 =	vshrl.u32 v5, $0x3;
	v5 =	vld [tilespmem:$0x110]  }
0x3e: {  	v24 =	vld [tilespmem:$0x310];
	[tilespmem:$0x6E0] =	vst v1;
	v1 =	vshrl.u32 v23, $0x3  }
0x3f: {  	[tilespmem:$0x4F0] =	vst v1;
	v1 =	vshrl.u32 v2, $0x3;
	v2 =	vld [tilespmem:$0x120]  }
0x40: {  	[tilespmem:$0x6F0] =	vst v1;
	v1 =	vshrl.u32 v3, $0x3;
	v3 =	vld [tilespmem:$0x320]  }
0x41: {  	[tilespmem:$0x500] =	vst v1;
	v1 =	vshrl.u32 v4, $0x3;
	v4 =	vld [tilespmem:$0x130]  }
0x42: {  	[tilespmem:$0x700] =	vst v1;
	v1 =	vshrl.u32 v5, $0x3;
	v5 =	vld [tilespmem:$0x330]  }
0x43: {  	v25 =	vld [tilespmem:$0x140];
	[tilespmem:$0x510] =	vst v1;
	v1 =	vshrl.u32 v24, $0x3  }
0x44: {  	[tilespmem:$0x710] =	vst v1;
	v1 =	vshrl.u32 v2, $0x3;
	v2 =	vld [tilespmem:$0x340]  }
0x45: {  	[tilespmem:$0x520] =	vst v1;
	v1 =	vshrl.u32 v3, $0x3;
	v3 =	vld [tilespmem:$0x150]  }
0x46: {  	[tilespmem:$0x720] =	vst v1;
	v1 =	vshrl.u32 v4, $0x3;
	v4 =	vld [tilespmem:$0x350]  }
0x47: {  	[tilespmem:$0x530] =	vst v1;
	v1 =	vshrl.u32 v5, $0x3;
	v5 =	vld [tilespmem:$0x160]  }
0x48: {  	v26 =	vld [tilespmem:$0x360];
	[tilespmem:$0x730] =	vst v1;
	v1 =	vshrl.u32 v25, $0x3  }
0x49: {  	[tilespmem:$0x540] =	vst v1;
	v1 =	vshrl.u32 v2, $0x3;
	v2 =	vld [tilespmem:$0x170]  }
0x4a: {  	[tilespmem:$0x740] =	vst v1;
	v1 =	vshrl.u32 v3, $0x3;
	v3 =	vld [tilespmem:$0x370]  }
0x4b: {  	[tilespmem:$0x550] =	vst v1;
	v1 =	vshrl.u32 v4, $0x3;
	v4 =	vld [tilespmem:$0x180]  }
0x4c: {  	[tilespmem:$0x750] =	vst v1;
	v1 =	vshrl.u32 v5, $0x3;
	v5 =	vld [tilespmem:$0x380]  }
0x4d: {  	v27 =	vld [tilespmem:$0x190];
	[tilespmem:$0x560] =	vst v1;
	v1 =	vshrl.u32 v26, $0x3  }
0x4e: {  	[tilespmem:$0x760] =	vst v1;
	v1 =	vshrl.u32 v2, $0x3;
	v2 =	vld [tilespmem:$0x390]  }
0x4f: {  	[tilespmem:$0x570] =	vst v1;
	v1 =	vshrl.u32 v3, $0x3;
	v3 =	vld [tilespmem:$0x1A0]  }
0x50: {  	[tilespmem:$0x770] =	vst v1;
	v1 =	vshrl.u32 v4, $0x3;
	v4 =	vld [tilespmem:$0x3A0]  }
0x51: {  	[tilespmem:$0x580] =	vst v1;
	v1 =	vshrl.u32 v5, $0x3;
	v5 =	vld [tilespmem:$0x1B0]  }
0x52: {  	v28 =	vld [tilespmem:$0x3B0];
	[tilespmem:$0x780] =	vst v1;
	v1 =	vshrl.u32 v27, $0x3  }
0x53: {  	[tilespmem:$0x590] =	vst v1;
	v1 =	vshrl.u32 v2, $0x3;
	v2 =	vld [tilespmem:$0x1C0]  }
0x54: {  	[tilespmem:$0x790] =	vst v1;
	v1 =	vshrl.u32 v3, $0x3;
	v3 =	vld [tilespmem:$0x3C0]  }
0x55: {  	[tilespmem:$0x5A0] =	vst v1;
	v1 =	vshrl.u32 v4, $0x3;
	v4 =	vld [tilespmem:$0x1D0]  }
0x56: {  	[tilespmem:$0x7A0] =	vst v1;
	v1 =	vshrl.u32 v5, $0x3;
	v5 =	vld [tilespmem:$0x3D0]  }
0x57: {  	v29 =	vld [tilespmem:$0x1E0];
	[tilespmem:$0x5B0] =	vst v1;
	v1 =	vshrl.u32 v28, $0x3  }
0x58: {  	[tilespmem:$0x7B0] =	vst v1;
	v1 =	vshrl.u32 v2, $0x3;
	v2 =	vld [tilespmem:$0x3E0]  }
0x59: {  	[tilespmem:$0x5C0] =	vst v1;
	v1 =	vshrl.u32 v3, $0x3;
	v3 =	vld [tilespmem:$0x1F0]  }
0x5a: {  	[tilespmem:$0x7C0] =	vst v1;
	v1 =	vshrl.u32 v4, $0x3;
	v4 =	vld [tilespmem:$0x3F0]  }
0x5b: {  	[tilespmem:$0x5D0] =	vst v1;
	v1 =	vshrl.u32 v5, $0x3  }
0x5c: {  	[tilespmem:$0x7D0] =	vst v1;
	v1 =	vshrl.u32 v29, $0x3  }
0x5d: {  	[tilespmem:$0x5E0] =	vst v1;
	v1 =	vshrl.u32 v2, $0x3  }
0x5e: {  	[tilespmem:$0x7E0] =	vst v1;
	v1 =	vshrl.u32 v3, $0x3  }
0x5f: {  	[tilespmem:$0x5F0] =	vst v1;
	v1 =	vshrl.u32 v4, $0x3  }
0x60: {  	s1 =	simm.s32 $0x10E00;
	[tilespmem:$0x7F0] =	vst v1  }
0x61: {  	[tilespmem:s1], [sflag:$0x3] =	stream.linear.gather [hbm4b:s5+s3], $0x80, $0x38;
	[tilespmem:$0x10E80] =	vst v63  }
0x62: {  	_ =	swait.ge [sflag:s10], $0x80  }
0x63: {  	[sflag:s10] =	ssyncset.done $0x0  }
0x64: {  	s13 =	simm.s32 $0x400;
	[sflag:s10] =	ssyncadd.s32 $0xFFFFFF80  }
0x65: {  	v1 =	vld [tilespmem:$0x10E00];
	[tilespmem:s14], [sflag:$0x1] =	stream.indirect.gather [hbm4b:s4+s12], $0x80, s13, s12, $0xb8  }
0x66: {  	s15 =	simm.s32 $0x600  }
0x67: {  	[tilespmem:s16], [sflag:$0x1] =	stream.indirect.gather [hbm4b:s4+s12], $0x80, s15, s12, $0xb8;
	[tilespmem:$0x10E80] =	vst v63  }
0x68: {  	_ = 	snop  }
0x69: {  	[tilespmem:s18], [sflag:$0x2] =	stream.indirect.gather [hbm4b:s4+s12], $0x80, s17, s12, $0xb8;
	[tilespmem:$0x10E80] =	vst v63  }
0x6a: {  	_ = 	snop  }
0x6b: {  	[tilespmem:s20], [sflag:$0x2] =	stream.indirect.gather [hbm4b:s4+s12], $0x80, s19, s12, $0xb8;
	[tilespmem:$0x10E80] =	vst v63  }
0x6c: {  	_ =	swait.ge [sflag:s21], $0x200  }
0x6d: {  	[sflag:s21] =	ssyncset.done $0x0  }
0x6e: {  	[sflag:s21] =	ssyncadd.s32 $0xFFFFFE00  }
0x6f: {  	_ =	swait.ge [sflag:s21], $0x200  }
0x70: {  	[sflag:s21] =	ssyncset.done $0x0  }
0x71: {  	[sflag:s21] =	ssyncadd.s32 $0xFFFFFE00  }
0x72: {  	_ =	swait.ge [sflag:s22], $0x4000  }
0x73: {  	[sflag:s22] =	ssyncset.done $0x0  }
0x74: {  	[sflag:s22] =	ssyncadd.s32 $0xFFFFC000  }
0x75: {  	_ =	swait.ge [sflag:s22], $0x4000  }
0x76: {  	[sflag:s22] =	ssyncset.done $0x0  }
0x77: {  	[sflag:s22] =	ssyncadd.s32 $0xFFFFC000  }
0x78: {  	v2 =	vld [tilespmem:s3+$0x0]  }
0x79: {  	v3 =	vld [tilespmem:s0+$0x0];
	_ =	sdelay $0x2  }
0x7a: {  	v4 =	vmov s3  }
0x7b: {  	v4 =	vshll.u32 v4, $0x7;
	v2 =	vshll.u32 v2, $0x4  }
0x7c: {  	v4 =	vor.u32 v0, v4;
	v3 =	vshll.u32 v3, $0x4;
	v2 =	vand.u32 $0x70, v2  }
0x7d: {  	v3 =	vand.u32 $0x70, v3;
	v2 =	vor.u32 v4, v2  }
0x7e: {  	v3 =	vor.u32 v4, v3  }
0x7f: {  	v4 =	vor.u32 $0x1, v2  }
0x80: {  	v5 =	vld [tilespmem:s31+$0x0];
	v30 =	vor.u32 $0x1, v3  }
0x81: {  	v7 =	vld [tilespmem:s30+$0x0];
	v8 =	vor.u32 $0x2, v2  }
0x82: {  	v10 =	vor.u32 $0x2, v3;
	v9 =	vld.idx.msk [tilespmem:v2+s14+$0x0], $0xffff  }
0x83: {  	v12 =	vor.u32 $0x3, v2;
	v11 =	vld.idx.msk [tilespmem:v3+s16+$0x0], $0xffff  }
0x84: {  	v13 =	vor.u32 $0x3, v3;
	v4 =	vld.idx.msk [tilespmem:v4+s14+$0x0], $0xffff  }
0x85: {  	v14 =	vor.u32 $0x4, v2;
	v6 =	vld.idx.msk [tilespmem:v30+s16+$0x0], $0xffff  }
0x86: {  	v7 =	vadd.f32 v7, v1;
	v15 =	vor.u32 $0x4, v3;
	v8 =	vld.idx.msk [tilespmem:v8+s14+$0x0], $0xffff  }
0x87: {  	v16 =	vor.u32 $0x5, v2;
	v10 =	vld.idx.msk [tilespmem:v10+s16+$0x0], $0xffff  }
0x88: {  	v5 =	vadd.f32 v5, v7;
	v17 =	vor.u32 $0x5, v3;
	v12 =	vld.idx.msk [tilespmem:v12+s14+$0x0], $0xffff;
	v31 =	vmul.f32 v11, v9  }
0x89: {  	v35 =	vor.u32 $0x6, v3;
	v32 =	vld.idx.msk [tilespmem:v13+s16+$0x0], $0xffff  }
0x8a: {  	v33 =	vor.u32 $0x6, v2;
	v34 =	vld.idx.msk [tilespmem:v14+s14+$0x0], $0xffff;
	v4 =	vmul.f32 v6, v4;
	v5 =	vadd.f32 v31, v5  }
0x8b: {  	v37 =	vor.u32 $0x7, v2;
	v36 =	vld.idx.msk [tilespmem:v15+s16+$0x0], $0xffff  }
0x8c: {  	v39 =	vor.u32 $0x7, v3;
	v38 =	vld.idx.msk [tilespmem:v16+s14+$0x0], $0xffff;
	v4 =	vadd.f32 v4, v5;
	v5 =	vmul.f32 v10, v8  }
0x8d: {  	v42 =	vor.u32 $0x8, v3;
	v40 =	vld.idx.msk [tilespmem:v17+s16+$0x0], $0xffff  }
0x8e: {  	v41 =	vor.u32 $0x8, v2;
	v43 =	vld.idx.msk [tilespmem:v35+s16+$0x0], $0xffff;
	v4 =	vadd.f32 v5, v4;
	v5 =	vmul.f32 v32, v12  }
0x8f: {  	v45 =	vor.u32 $0x9, v3;
	v11 =	vld.idx.msk [tilespmem:v33+s14+$0x0], $0xffff  }
0x90: {  	v44 =	vor.u32 $0x9, v2;
	v7 =	vld.idx.msk [tilespmem:v37+s14+$0x0], $0xffff;
	v4 =	vadd.f32 v5, v4;
	v5 =	vmul.f32 v36, v34  }
0x91: {  	v47 =	vor.u32 $0xA, v2;
	v46 =	vld.idx.msk [tilespmem:v39+s16+$0x0], $0xffff  }
0x92: {  	v48 =	vor.u32 $0xA, v3;
	v49 =	vld.idx.msk [tilespmem:v42+s16+$0x0], $0xffff;
	v4 =	vadd.f32 v5, v4;
	v5 =	vmul.f32 v40, v38  }
0x93: {  	v50 =	vor.u32 $0xB, v2;
	v10 =	vld.idx.msk [tilespmem:v41+s14+$0x0], $0xffff  }
0x94: {  	v51 =	vor.u32 $0xB, v3;
	v52 =	vld.idx.msk [tilespmem:v45+s16+$0x0], $0xffff;
	v4 =	vadd.f32 v5, v4;
	v5 =	vmul.f32 v43, v11  }
0x95: {  	v54 =	vor.u32 $0xC, v3;
	v12 =	vld.idx.msk [tilespmem:v44+s14+$0x0], $0xffff  }
0x96: {  	v53 =	vor.u32 $0xC, v2;
	v13 =	vld.idx.msk [tilespmem:v47+s14+$0x0], $0xffff;
	v4 =	vadd.f32 v5, v4;
	v5 =	vmul.f32 v46, v7  }
0x97: {  	v57 =	vor.u32 $0xD, v3;
	v55 =	vld.idx.msk [tilespmem:v48+s16+$0x0], $0xffff  }
0x98: {  	v56 =	vor.u32 $0xD, v2;
	v15 =	vld.idx.msk [tilespmem:v50+s14+$0x0], $0xffff;
	v4 =	vadd.f32 v5, v4;
	v5 =	vmul.f32 v49, v10  }
0x99: {  	v60 =	vor.u32 $0xE, v3;
	v58 =	vld.idx.msk [tilespmem:v51+s16+$0x0], $0xffff  }
0x9a: {  	v59 =	vor.u32 $0xE, v2;
	v61 =	vld.idx.msk [tilespmem:v54+s16+$0x0], $0xffff;
	v4 =	vadd.f32 v5, v4;
	v5 =	vmul.f32 v52, v12  }
0x9b: {  	v2 =	vor.u32 $0xF, v2;
	v11 =	vld.idx.msk [tilespmem:v53+s14+$0x0], $0xffff  }
0x9c: {  	v3 =	vor.u32 $0xF, v3;
	v62 =	vld.idx.msk [tilespmem:v57+s16+$0x0], $0xffff;
	v4 =	vadd.f32 v5, v4;
	v5 =	vmul.f32 v55, v13  }
0x9d: {  	v7 =	vld.idx.msk [tilespmem:v56+s14+$0x0], $0xffff  }
0x9e: {  	v63 =	vld.idx.msk [tilespmem:v60+s16+$0x0], $0xffff;
	v4 =	vadd.f32 v5, v4;
	v5 =	vmul.f32 v58, v15  }
0x9f: {  	v10 =	vld.idx.msk [tilespmem:v59+s14+$0x0], $0xffff  }
0xa0: {  	v2 =	vld.idx.msk [tilespmem:v2+s14+$0x0], $0xffff;
	v4 =	vadd.f32 v5, v4;
	v5 =	vmul.f32 v61, v11  }
0xa1: {  	v3 =	vld.idx.msk [tilespmem:v3+s16+$0x0], $0xffff  }
0xa2: {  	v4 =	vadd.f32 v5, v4;
	v5 =	vmul.f32 v62, v7;
	_ =	sdelay $0x1  }
0xa3: {  	v4 =	vadd.f32 v5, v4;
	v5 =	vmul.f32 v63, v10;
	_ =	sdelay $0x1  }
0xa4: {  	v2 =	vmul.f32 v3, v2;
	v4 =	vadd.f32 v5, v4;
	_ =	sdelay $0x1  }
0xa5: {  	v2 =	vadd.f32 v2, v4;
	_ =	sdelay $0x1  }
0xa6: {  	s1 =	simm.s32 $0x10;
	[tilespmem:s28+$0x0] =	vst v2  }
0xa7: {  	s11 =	simm.s32 $0x210;
	v2 =	vld [tilespmem:s1+$0x0]  }
0xa8: {  	s13 =	simm.s32 $0x20;
	s15 =	simm.s32 $0x10;
	s0 =	simm.s32 $0x10C00;
	v3 =	vld [tilespmem:s11+$0x0]  }
.LBB2_2:
0xa9: {  	p0 =	sne.s32 s13, $0x70;
	_ =	sdelay $0x1  }
0xaa: {  	v4 =	vmov s1;
	s1 =	smov.u32 s13  }
0xab: {  	v4 =	vshll.u32 v4, $0x7;
	v2 =	vshll.u32 v2, $0x4  }
0xac: {  	v4 =	vor.u32 v0, v4;
	v2 =	vand.u32 $0x70, v2;
	v3 =	vshll.u32 v3, $0x4  }
0xad: {  	v3 =	vand.u32 $0x70, v3;
	v2 =	vor.u32 v4, v2  }
0xae: {  	v3 =	vor.u32 v4, v3  }
0xaf: {  	s31 =	sadd.s32 $0x10, s31;
	v4 =	vor.u32 $0x1, v2  }
0xb0: {  	s30 =	sadd.s32 $0x10, s30;
	v6 =	vor.u32 $0x1, v3;
	v5 =	vld [tilespmem:s31+$0x0]  }
0xb1: {  	v8 =	vor.u32 $0x2, v2;
	v7 =	vld [tilespmem:s30+$0x0]  }
0xb2: {  	v10 =	vor.u32 $0x2, v3;
	v9 =	vld.idx.msk [tilespmem:v2+s14+$0x0], $0xffff  }
0xb3: {  	v12 =	vor.u32 $0x3, v2;
	v11 =	vld.idx.msk [tilespmem:v3+s16+$0x0], $0xffff  }
0xb4: {  	v13 =	vor.u32 $0x3, v3;
	v4 =	vld.idx.msk [tilespmem:v4+s14+$0x0], $0xffff  }
0xb5: {  	v14 =	vor.u32 $0x4, v2;
	v6 =	vld.idx.msk [tilespmem:v6+s16+$0x0], $0xffff  }
0xb6: {  	v15 =	vor.u32 $0x4, v3;
	v8 =	vld.idx.msk [tilespmem:v8+s14+$0x0], $0xffff  }
0xb7: {  	v16 =	vor.u32 $0x5, v2;
	v7 =	vadd.f32 v7, v1;
	v10 =	vld.idx.msk [tilespmem:v10+s16+$0x0], $0xffff  }
0xb8: {  	v17 =	vor.u32 $0x5, v3;
	v12 =	vld.idx.msk [tilespmem:v12+s14+$0x0], $0xffff  }
0xb9: {  	v5 =	vadd.f32 v5, v7;
	v7 =	vmul.f32 v11, v9;
	v11 =	vor.u32 $0x6, v2;
	v9 =	vld.idx.msk [tilespmem:v13+s16+$0x0], $0xffff  }
0xba: {  	v13 =	vld.idx.msk [tilespmem:v14+s14+$0x0], $0xffff;
	v14 =	vor.u32 $0x6, v3  }
0xbb: {  	v5 =	vadd.f32 v7, v5;
	v4 =	vmul.f32 v6, v4;
	v7 =	vor.u32 $0x7, v2;
	v6 =	vld.idx.msk [tilespmem:v15+s16+$0x0], $0xffff  }
0xbc: {  	v15 =	vld.idx.msk [tilespmem:v16+s14+$0x0], $0xffff;
	v16 =	vor.u32 $0x7, v3  }
0xbd: {  	v4 =	vadd.f32 v4, v5;
	v5 =	vmul.f32 v10, v8;
	v10 =	vor.u32 $0x8, v2;
	v8 =	vld.idx.msk [tilespmem:v17+s16+$0x0], $0xffff  }
0xbe: {  	v17 =	vor.u32 $0x8, v3;
	v11 =	vld.idx.msk [tilespmem:v11+s14+$0x0], $0xffff  }
0xbf: {  	v4 =	vadd.f32 v5, v4;
	v5 =	vmul.f32 v9, v12;
	v12 =	vor.u32 $0x9, v2;
	v9 =	vld.idx.msk [tilespmem:v14+s16+$0x0], $0xffff  }
0xc0: {  	v14 =	vor.u32 $0x9, v3;
	v7 =	vld.idx.msk [tilespmem:v7+s14+$0x0], $0xffff  }
0xc1: {  	v4 =	vadd.f32 v5, v4;
	v5 =	vmul.f32 v6, v13;
	v13 =	vor.u32 $0xA, v2;
	v6 =	vld.idx.msk [tilespmem:v16+s16+$0x0], $0xffff  }
0xc2: {  	v16 =	vor.u32 $0xA, v3;
	v10 =	vld.idx.msk [tilespmem:v10+s14+$0x0], $0xffff  }
0xc3: {  	v4 =	vadd.f32 v5, v4;
	v5 =	vmul.f32 v8, v15;
	v15 =	vor.u32 $0xB, v2;
	v8 =	vld.idx.msk [tilespmem:v17+s16+$0x0], $0xffff  }
0xc4: {  	v17 =	vor.u32 $0xB, v3;
	v12 =	vld.idx.msk [tilespmem:v12+s14+$0x0], $0xffff  }
0xc5: {  	v4 =	vadd.f32 v5, v4;
	v5 =	vmul.f32 v9, v11;
	v11 =	vor.u32 $0xC, v2;
	v9 =	vld.idx.msk [tilespmem:v14+s16+$0x0], $0xffff  }
0xc6: {  	v14 =	vor.u32 $0xC, v3;
	v13 =	vld.idx.msk [tilespmem:v13+s14+$0x0], $0xffff  }
0xc7: {  	v4 =	vadd.f32 v5, v4;
	v5 =	vmul.f32 v6, v7;
	v7 =	vor.u32 $0xD, v2;
	v6 =	vld.idx.msk [tilespmem:v16+s16+$0x0], $0xffff  }
0xc8: {  	v16 =	vor.u32 $0xD, v3;
	v15 =	vld.idx.msk [tilespmem:v15+s14+$0x0], $0xffff  }
0xc9: {  	v4 =	vadd.f32 v5, v4;
	v5 =	vmul.f32 v8, v10;
	v10 =	vor.u32 $0xE, v2;
	v8 =	vld.idx.msk [tilespmem:v17+s16+$0x0], $0xffff  }
0xca: {  	v17 =	vor.u32 $0xE, v3;
	v11 =	vld.idx.msk [tilespmem:v11+s14+$0x0], $0xffff  }
0xcb: {  	v2 =	vor.u32 $0xF, v2;
	v4 =	vadd.f32 v5, v4;
	v5 =	vmul.f32 v9, v12;
	v9 =	vld.idx.msk [tilespmem:v14+s16+$0x0], $0xffff  }
0xcc: {  	v3 =	vor.u32 $0xF, v3;
	v7 =	vld.idx.msk [tilespmem:v7+s14+$0x0], $0xffff  }
0xcd: {  	v4 =	vadd.f32 v5, v4;
	v5 =	vmul.f32 v6, v13;
	v6 =	vld.idx.msk [tilespmem:v16+s16+$0x0], $0xffff  }
0xce: {  	v10 =	vld.idx.msk [tilespmem:v10+s14+$0x0], $0xffff  }
0xcf: {  	v4 =	vadd.f32 v5, v4;
	v5 =	vmul.f32 v8, v15;
	v8 =	vld.idx.msk [tilespmem:v17+s16+$0x0], $0xffff  }
0xd0: {  	v2 =	vld.idx.msk [tilespmem:v2+s14+$0x0], $0xffff  }
0xd1: {  	v4 =	vadd.f32 v5, v4;
	v5 =	vmul.f32 v9, v11;
	v3 =	vld.idx.msk [tilespmem:v3+s16+$0x0], $0xffff;
	_ =	sdelay $0x1  }
0xd2: {  	v4 =	vadd.f32 v5, v4;
	v5 =	vmul.f32 v6, v7;
	_ =	sdelay $0x1  }
0xd3: {  	v4 =	vadd.f32 v5, v4;
	v5 =	vmul.f32 v8, v10;
	_ =	sdelay $0x1  }
0xd4: {  	v4 =	vadd.f32 v5, v4;
	v2 =	vmul.f32 v3, v2;
	_ =	sdelay $0x1  }
.Ltmp0:
0xd5: {  	v2 =	vadd.f32 v2, v4;
	(pc) =	sbr.rel @p0 .LBB2_2-.Ltmp0, $4  }
0xd6: {  	s0 =	sadd.s32 $0x10, s0  }
0xd7: {  	s15 =	sadd.s32 $0x10, s15;
	[tilespmem:s0+$0x0] =	vst v2  }
0xd8: {  	s11 =	sadd.s32 $0x10, s11;
	v2 =	vld [tilespmem:s15+$0x0]  }
0xd9: {  	s13 =	sadd.s32 $0x10, s13;
	v3 =	vld [tilespmem:s11+$0x0]  }
0xda: {  	_ =	sdelay $0x1  }
0xdb: {  	v4 =	vmov s1  }
0xdc: {  	v4 =	vshll.u32 v4, $0x7;
	v2 =	vshll.u32 v2, $0x4  }
0xdd: {  	v4 =	vor.u32 v0, v4;
	v2 =	vand.u32 $0x70, v2;
	v3 =	vshll.u32 v3, $0x4  }
0xde: {  	v3 =	vand.u32 $0x70, v3;
	v2 =	vor.u32 v4, v2  }
0xdf: {  	v3 =	vor.u32 v4, v3  }
0xe0: {  	s13 =	sadd.s32 $0x10, s31;
	v4 =	vor.u32 $0x1, v2  }
0xe1: {  	s15 =	sadd.s32 $0x10, s30;
	v5 =	vld [tilespmem:s13+$0x0];
	v6 =	vor.u32 $0x1, v3  }
0xe2: {  	v7 =	vld [tilespmem:s15+$0x0];
	v8 =	vor.u32 $0x2, v2  }
0xe3: {  	v10 =	vor.u32 $0x2, v3;
	v9 =	vld.idx.msk [tilespmem:v2+s14+$0x0], $0xffff  }
0xe4: {  	v12 =	vor.u32 $0x3, v2;
	v11 =	vld.idx.msk [tilespmem:v3+s16+$0x0], $0xffff  }
0xe5: {  	v13 =	vor.u32 $0x3, v3;
	v4 =	vld.idx.msk [tilespmem:v4+s14+$0x0], $0xffff  }
0xe6: {  	v14 =	vor.u32 $0x4, v2;
	v6 =	vld.idx.msk [tilespmem:v6+s16+$0x0], $0xffff  }
0xe7: {  	v7 =	vadd.f32 v7, v1;
	v15 =	vor.u32 $0x4, v3;
	v8 =	vld.idx.msk [tilespmem:v8+s14+$0x0], $0xffff  }
0xe8: {  	v16 =	vor.u32 $0x5, v2;
	v10 =	vld.idx.msk [tilespmem:v10+s16+$0x0], $0xffff  }
0xe9: {  	v17 =	vor.u32 $0x5, v3;
	v5 =	vadd.f32 v5, v7;
	v12 =	vld.idx.msk [tilespmem:v12+s14+$0x0], $0xffff;
	v34 =	vmul.f32 v11, v9  }
0xea: {  	v38 =	vor.u32 $0x6, v3;
	v35 =	vld.idx.msk [tilespmem:v13+s16+$0x0], $0xffff  }
0xeb: {  	v36 =	vor.u32 $0x6, v2;
	v37 =	vld.idx.msk [tilespmem:v14+s14+$0x0], $0xffff;
	v4 =	vmul.f32 v6, v4;
	v5 =	vadd.f32 v34, v5  }
0xec: {  	v40 =	vor.u32 $0x7, v2;
	v39 =	vld.idx.msk [tilespmem:v15+s16+$0x0], $0xffff  }
0xed: {  	v42 =	vor.u32 $0x7, v3;
	v41 =	vld.idx.msk [tilespmem:v16+s14+$0x0], $0xffff;
	v4 =	vadd.f32 v4, v5;
	v5 =	vmul.f32 v10, v8  }
0xee: {  	v45 =	vor.u32 $0x8, v3;
	v43 =	vld.idx.msk [tilespmem:v17+s16+$0x0], $0xffff  }
0xef: {  	v44 =	vor.u32 $0x8, v2;
	v46 =	vld.idx.msk [tilespmem:v38+s16+$0x0], $0xffff;
	v4 =	vadd.f32 v5, v4;
	v5 =	vmul.f32 v35, v12  }
0xf0: {  	v48 =	vor.u32 $0x9, v3;
	v11 =	vld.idx.msk [tilespmem:v36+s14+$0x0], $0xffff  }
0xf1: {  	v47 =	vor.u32 $0x9, v2;
	v7 =	vld.idx.msk [tilespmem:v40+s14+$0x0], $0xffff;
	v4 =	vadd.f32 v5, v4;
	v5 =	vmul.f32 v39, v37  }
0xf2: {  	v50 =	vor.u32 $0xA, v2;
	v49 =	vld.idx.msk [tilespmem:v42+s16+$0x0], $0xffff  }
0xf3: {  	v51 =	vor.u32 $0xA, v3;
	v52 =	vld.idx.msk [tilespmem:v45+s16+$0x0], $0xffff;
	v4 =	vadd.f32 v5, v4;
	v5 =	vmul.f32 v43, v41  }
0xf4: {  	v53 =	vor.u32 $0xB, v2;
	v10 =	vld.idx.msk [tilespmem:v44+s14+$0x0], $0xffff  }
0xf5: {  	v54 =	vor.u32 $0xB, v3;
	v55 =	vld.idx.msk [tilespmem:v48+s16+$0x0], $0xffff;
	v4 =	vadd.f32 v5, v4;
	v5 =	vmul.f32 v46, v11  }
0xf6: {  	v57 =	vor.u32 $0xC, v3;
	v12 =	vld.idx.msk [tilespmem:v47+s14+$0x0], $0xffff  }
0xf7: {  	v56 =	vor.u32 $0xC, v2;
	v13 =	vld.idx.msk [tilespmem:v50+s14+$0x0], $0xffff;
	v4 =	vadd.f32 v5, v4;
	v5 =	vmul.f32 v49, v7  }
0xf8: {  	v60 =	vor.u32 $0xD, v3;
	v58 =	vld.idx.msk [tilespmem:v51+s16+$0x0], $0xffff  }
0xf9: {  	v59 =	vor.u32 $0xD, v2;
	v15 =	vld.idx.msk [tilespmem:v53+s14+$0x0], $0xffff;
	v4 =	vadd.f32 v5, v4;
	v5 =	vmul.f32 v52, v10  }
0xfa: {  	v63 =	vor.u32 $0xE, v3;
	v61 =	vld.idx.msk [tilespmem:v54+s16+$0x0], $0xffff  }
0xfb: {  	v62 =	vor.u32 $0xE, v2;
	v14 =	vld.idx.msk [tilespmem:v57+s16+$0x0], $0xffff;
	v4 =	vadd.f32 v5, v4;
	v5 =	vmul.f32 v55, v12  }
0xfc: {  	v2 =	vor.u32 $0xF, v2;
	v11 =	vld.idx.msk [tilespmem:v56+s14+$0x0], $0xffff  }
0xfd: {  	v3 =	vor.u32 $0xF, v3;
	v16 =	vld.idx.msk [tilespmem:v60+s16+$0x0], $0xffff;
	v4 =	vadd.f32 v5, v4;
	v5 =	vmul.f32 v58, v13  }
0xfe: {  	v7 =	vld.idx.msk [tilespmem:v59+s14+$0x0], $0xffff  }
0xff: {  	v18 =	vld.idx.msk [tilespmem:v63+s16+$0x0], $0xffff;
	v4 =	vadd.f32 v5, v4;
	v5 =	vmul.f32 v61, v15  }
0x100: {  	v10 =	vld.idx.msk [tilespmem:v62+s14+$0x0], $0xffff  }
0x101: {  	v2 =	vld.idx.msk [tilespmem:v2+s14+$0x0], $0xffff;
	v4 =	vadd.f32 v5, v4;
	v5 =	vmul.f32 v14, v11  }
0x102: {  	v3 =	vld.idx.msk [tilespmem:v3+s16+$0x0], $0xffff  }
0x103: {  	v4 =	vadd.f32 v5, v4;
	v5 =	vmul.f32 v16, v7;
	_ =	sdelay $0x1  }
0x104: {  	v4 =	vadd.f32 v5, v4;
	v5 =	vmul.f32 v18, v10;
	_ =	sdelay $0x1  }
0x105: {  	v2 =	vmul.f32 v3, v2;
	v4 =	vadd.f32 v5, v4;
	_ =	sdelay $0x1  }
0x106: {  	v2 =	vadd.f32 v2, v4  }
0x107: {  	s0 =	sadd.s32 $0x10, s0  }
0x108: {  	s11 =	simm.s32 $0x80;
	[tilespmem:s0+$0x0] =	vst v2  }
0x109: {  	[tilespmem:s14], [sflag:$0x1] =	stream.indirect.gather [hbm4b:s4+s11], $0x80, s23, s11, $0xb8;
	[tilespmem:$0x10E80] =	vst v63  }
0x10a: {  	_ = 	snop  }
0x10b: {  	[tilespmem:s16], [sflag:$0x1] =	stream.indirect.gather [hbm4b:s4+s11], $0x80, s24, s11, $0xb8;
	[tilespmem:$0x10E80] =	vst v63  }
0x10c: {  	_ =	swait.ge [sflag:s21], $0x4000  }
0x10d: {  	[sflag:s21] =	ssyncset.done $0x0  }
0x10e: {  	[sflag:s21] =	ssyncadd.s32 $0xFFFFC000  }
0x10f: {  	_ =	swait.ge [sflag:s21], $0x4000  }
0x110: {  	[sflag:s21] =	ssyncset.done $0x0  }
0x111: {  	[sflag:s21] =	ssyncadd.s32 $0xFFFFC000  }
0x112: {  	s13 =	simm.s32 $0x280;
	v2 =	vld [tilespmem:s11+$0x0]  }
0x113: {  	v3 =	vld [tilespmem:s13+$0x0];
	_ =	sdelay $0x1  }
0x114: {  	s15 =	simm.s32 $0x0  }
0x115: {  	v4 =	vmov s15  }
0x116: {  	v4 =	vshll.u32 v4, $0x7;
	v2 =	vshll.u32 v2, $0x4  }
0x117: {  	v4 =	vor.u32 v0, v4;
	v3 =	vshll.u32 v3, $0x4;
	v2 =	vand.u32 $0x70, v2  }
0x118: {  	v3 =	vand.u32 $0x70, v3;
	v2 =	vor.u32 v4, v2  }
0x119: {  	v3 =	vor.u32 v4, v3  }
0x11a: {  	s31 =	simm.s32 $0x10A80;
	v4 =	vor.u32 $0x1, v2  }
0x11b: {  	s30 =	simm.s32 $0x10880;
	v5 =	vld [tilespmem:s31+$0x0];
	v19 =	vor.u32 $0x1, v3  }
0x11c: {  	v20 =	vld [tilespmem:s30+$0x0];
	v21 =	vor.u32 $0x2, v2  }
0x11d: {  	v23 =	vor.u32 $0x2, v3;
	v22 =	vld.idx.msk [tilespmem:v2+s18+$0x0], $0xffff  }
0x11e: {  	v25 =	vor.u32 $0x3, v2;
	v24 =	vld.idx.msk [tilespmem:v3+s20+$0x0], $0xffff  }
0x11f: {  	v26 =	vor.u32 $0x3, v3;
	v4 =	vld.idx.msk [tilespmem:v4+s18+$0x0], $0xffff  }
0x120: {  	v27 =	vor.u32 $0x4, v2;
	v6 =	vld.idx.msk [tilespmem:v19+s20+$0x0], $0xffff  }
0x121: {  	v7 =	vadd.f32 v20, v1;
	v28 =	vor.u32 $0x4, v3;
	v8 =	vld.idx.msk [tilespmem:v21+s18+$0x0], $0xffff  }
0x122: {  	v29 =	vor.u32 $0x5, v2;
	v10 =	vld.idx.msk [tilespmem:v23+s20+$0x0], $0xffff  }
0x123: {  	v5 =	vadd.f32 v5, v7;
	v30 =	vor.u32 $0x5, v3;
	v12 =	vld.idx.msk [tilespmem:v25+s18+$0x0], $0xffff;
	v31 =	vmul.f32 v24, v22  }
0x124: {  	v33 =	vor.u32 $0x6, v2;
	v32 =	vld.idx.msk [tilespmem:v26+s20+$0x0], $0xffff  }
0x125: {  	v35 =	vor.u32 $0x6, v3;
	v34 =	vld.idx.msk [tilespmem:v27+s18+$0x0], $0xffff;
	v4 =	vmul.f32 v6, v4;
	v5 =	vadd.f32 v31, v5  }
0x126: {  	v37 =	vor.u32 $0x7, v2;
	v36 =	vld.idx.msk [tilespmem:v28+s20+$0x0], $0xffff  }
0x127: {  	v39 =	vor.u32 $0x7, v3;
	v38 =	vld.idx.msk [tilespmem:v29+s18+$0x0], $0xffff;
	v4 =	vadd.f32 v4, v5;
	v5 =	vmul.f32 v10, v8  }
0x128: {  	v42 =	vor.u32 $0x8, v3;
	v40 =	vld.idx.msk [tilespmem:v30+s20+$0x0], $0xffff  }
0x129: {  	v41 =	vor.u32 $0x8, v2;
	v11 =	vld.idx.msk [tilespmem:v33+s18+$0x0], $0xffff;
	v4 =	vadd.f32 v5, v4;
	v5 =	vmul.f32 v32, v12  }
0x12a: {  	v45 =	vor.u32 $0x9, v3;
	v43 =	vld.idx.msk [tilespmem:v35+s20+$0x0], $0xffff  }
0x12b: {  	v44 =	vor.u32 $0x9, v2;
	v7 =	vld.idx.msk [tilespmem:v37+s18+$0x0], $0xffff;
	v4 =	vadd.f32 v5, v4;
	v5 =	vmul.f32 v36, v34  }
0x12c: {  	v47 =	vor.u32 $0xA, v2;
	v46 =	vld.idx.msk [tilespmem:v39+s20+$0x0], $0xffff  }
0x12d: {  	v48 =	vor.u32 $0xA, v3;
	v49 =	vld.idx.msk [tilespmem:v42+s20+$0x0], $0xffff;
	v4 =	vadd.f32 v5, v4;
	v5 =	vmul.f32 v40, v38  }
0x12e: {  	v50 =	vor.u32 $0xB, v2;
	v10 =	vld.idx.msk [tilespmem:v41+s18+$0x0], $0xffff  }
0x12f: {  	v51 =	vor.u32 $0xB, v3;
	v52 =	vld.idx.msk [tilespmem:v45+s20+$0x0], $0xffff;
	v4 =	vadd.f32 v5, v4;
	v5 =	vmul.f32 v43, v11  }
0x130: {  	v54 =	vor.u32 $0xC, v3;
	v12 =	vld.idx.msk [tilespmem:v44+s18+$0x0], $0xffff  }
0x131: {  	v53 =	vor.u32 $0xC, v2;
	v13 =	vld.idx.msk [tilespmem:v47+s18+$0x0], $0xffff;
	v4 =	vadd.f32 v5, v4;
	v5 =	vmul.f32 v46, v7  }
0x132: {  	v57 =	vor.u32 $0xD, v3;
	v55 =	vld.idx.msk [tilespmem:v48+s20+$0x0], $0xffff  }
0x133: {  	v56 =	vor.u32 $0xD, v2;
	v15 =	vld.idx.msk [tilespmem:v50+s18+$0x0], $0xffff;
	v4 =	vadd.f32 v5, v4;
	v5 =	vmul.f32 v49, v10  }
0x134: {  	v60 =	vor.u32 $0xE, v3;
	v58 =	vld.idx.msk [tilespmem:v51+s20+$0x0], $0xffff  }
0x135: {  	v59 =	vor.u32 $0xE, v2;
	v61 =	vld.idx.msk [tilespmem:v54+s20+$0x0], $0xffff;
	v4 =	vadd.f32 v5, v4;
	v5 =	vmul.f32 v52, v12  }
0x136: {  	v2 =	vor.u32 $0xF, v2;
	v11 =	vld.idx.msk [tilespmem:v53+s18+$0x0], $0xffff  }
0x137: {  	v3 =	vor.u32 $0xF, v3;
	v62 =	vld.idx.msk [tilespmem:v57+s20+$0x0], $0xffff;
	v4 =	vadd.f32 v5, v4;
	v5 =	vmul.f32 v55, v13  }
0x138: {  	v7 =	vld.idx.msk [tilespmem:v56+s18+$0x0], $0xffff  }
0x139: {  	v63 =	vld.idx.msk [tilespmem:v60+s20+$0x0], $0xffff;
	v4 =	vadd.f32 v5, v4;
	v5 =	vmul.f32 v58, v15  }
0x13a: {  	v10 =	vld.idx.msk [tilespmem:v59+s18+$0x0], $0xffff  }
0x13b: {  	v2 =	vld.idx.msk [tilespmem:v2+s18+$0x0], $0xffff;
	v4 =	vadd.f32 v5, v4;
	v5 =	vmul.f32 v61, v11  }
0x13c: {  	v3 =	vld.idx.msk [tilespmem:v3+s20+$0x0], $0xffff  }
0x13d: {  	v4 =	vadd.f32 v5, v4;
	v5 =	vmul.f32 v62, v7;
	_ =	sdelay $0x1  }
0x13e: {  	v4 =	vadd.f32 v5, v4;
	v5 =	vmul.f32 v63, v10;
	_ =	sdelay $0x1  }
0x13f: {  	v2 =	vmul.f32 v3, v2;
	v4 =	vadd.f32 v5, v4;
	_ =	sdelay $0x1  }
0x140: {  	v2 =	vadd.f32 v2, v4  }
0x141: {  	s0 =	simm.s32 $0x10C80  }
0x142: {  	s1 =	simm.s32 $0x90;
	[tilespmem:s0+$0x0] =	vst v2  }
0x143: {  	s11 =	simm.s32 $0x290;
	v2 =	vld [tilespmem:s1+$0x0]  }
0x144: {  	s15 =	simm.s32 $0x20;
	s13 =	simm.s32 $0x10;
	v3 =	vld [tilespmem:s11+$0x0]  }
.LBB2_4:
0x145: {  	p0 =	sne.s32 s15, $0x70;
	_ =	sdelay $0x1  }
0x146: {  	v4 =	vmov s13;
	s13 =	smov.u32 s15  }
0x147: {  	v4 =	vshll.u32 v4, $0x7;
	v2 =	vshll.u32 v2, $0x4  }
0x148: {  	v4 =	vor.u32 v0, v4;
	v2 =	vand.u32 $0x70, v2;
	v3 =	vshll.u32 v3, $0x4  }
0x149: {  	v3 =	vand.u32 $0x70, v3;
	v2 =	vor.u32 v4, v2  }
0x14a: {  	v3 =	vor.u32 v4, v3  }
0x14b: {  	s31 =	sadd.s32 $0x10, s31;
	v4 =	vor.u32 $0x1, v2  }
0x14c: {  	s30 =	sadd.s32 $0x10, s30;
	v6 =	vor.u32 $0x1, v3;
	v5 =	vld [tilespmem:s31+$0x0]  }
0x14d: {  	v8 =	vor.u32 $0x2, v2;
	v7 =	vld [tilespmem:s30+$0x0]  }
0x14e: {  	v10 =	vor.u32 $0x2, v3;
	v9 =	vld.idx.msk [tilespmem:v2+s18+$0x0], $0xffff  }
0x14f: {  	v12 =	vor.u32 $0x3, v2;
	v11 =	vld.idx.msk [tilespmem:v3+s20+$0x0], $0xffff  }
0x150: {  	v13 =	vor.u32 $0x3, v3;
	v4 =	vld.idx.msk [tilespmem:v4+s18+$0x0], $0xffff  }
0x151: {  	v14 =	vor.u32 $0x4, v2;
	v6 =	vld.idx.msk [tilespmem:v6+s20+$0x0], $0xffff  }
0x152: {  	v15 =	vor.u32 $0x4, v3;
	v8 =	vld.idx.msk [tilespmem:v8+s18+$0x0], $0xffff  }
0x153: {  	v16 =	vor.u32 $0x5, v2;
	v7 =	vadd.f32 v7, v1;
	v10 =	vld.idx.msk [tilespmem:v10+s20+$0x0], $0xffff  }
0x154: {  	v17 =	vor.u32 $0x5, v3;
	v12 =	vld.idx.msk [tilespmem:v12+s18+$0x0], $0xffff  }
0x155: {  	v5 =	vadd.f32 v5, v7;
	v7 =	vmul.f32 v11, v9;
	v11 =	vor.u32 $0x6, v2;
	v9 =	vld.idx.msk [tilespmem:v13+s20+$0x0], $0xffff  }
0x156: {  	v13 =	vld.idx.msk [tilespmem:v14+s18+$0x0], $0xffff;
	v14 =	vor.u32 $0x6, v3  }
0x157: {  	v5 =	vadd.f32 v7, v5;
	v4 =	vmul.f32 v6, v4;
	v7 =	vor.u32 $0x7, v2;
	v6 =	vld.idx.msk [tilespmem:v15+s20+$0x0], $0xffff  }
0x158: {  	v15 =	vld.idx.msk [tilespmem:v16+s18+$0x0], $0xffff;
	v16 =	vor.u32 $0x7, v3  }
0x159: {  	v4 =	vadd.f32 v4, v5;
	v5 =	vmul.f32 v10, v8;
	v10 =	vor.u32 $0x8, v2;
	v8 =	vld.idx.msk [tilespmem:v17+s20+$0x0], $0xffff  }
0x15a: {  	v17 =	vor.u32 $0x8, v3;
	v11 =	vld.idx.msk [tilespmem:v11+s18+$0x0], $0xffff  }
0x15b: {  	v4 =	vadd.f32 v5, v4;
	v5 =	vmul.f32 v9, v12;
	v12 =	vor.u32 $0x9, v2;
	v9 =	vld.idx.msk [tilespmem:v14+s20+$0x0], $0xffff  }
0x15c: {  	v14 =	vor.u32 $0x9, v3;
	v7 =	vld.idx.msk [tilespmem:v7+s18+$0x0], $0xffff  }
0x15d: {  	v4 =	vadd.f32 v5, v4;
	v5 =	vmul.f32 v6, v13;
	v13 =	vor.u32 $0xA, v2;
	v6 =	vld.idx.msk [tilespmem:v16+s20+$0x0], $0xffff  }
0x15e: {  	v16 =	vor.u32 $0xA, v3;
	v10 =	vld.idx.msk [tilespmem:v10+s18+$0x0], $0xffff  }
0x15f: {  	v4 =	vadd.f32 v5, v4;
	v5 =	vmul.f32 v8, v15;
	v15 =	vor.u32 $0xB, v2;
	v8 =	vld.idx.msk [tilespmem:v17+s20+$0x0], $0xffff  }
0x160: {  	v17 =	vor.u32 $0xB, v3;
	v12 =	vld.idx.msk [tilespmem:v12+s18+$0x0], $0xffff  }
0x161: {  	v4 =	vadd.f32 v5, v4;
	v5 =	vmul.f32 v9, v11;
	v11 =	vor.u32 $0xC, v2;
	v9 =	vld.idx.msk [tilespmem:v14+s20+$0x0], $0xffff  }
0x162: {  	v14 =	vor.u32 $0xC, v3;
	v13 =	vld.idx.msk [tilespmem:v13+s18+$0x0], $0xffff  }
0x163: {  	v4 =	vadd.f32 v5, v4;
	v5 =	vmul.f32 v6, v7;
	v7 =	vor.u32 $0xD, v2;
	v6 =	vld.idx.msk [tilespmem:v16+s20+$0x0], $0xffff  }
0x164: {  	v16 =	vor.u32 $0xD, v3;
	v15 =	vld.idx.msk [tilespmem:v15+s18+$0x0], $0xffff  }
0x165: {  	v4 =	vadd.f32 v5, v4;
	v5 =	vmul.f32 v8, v10;
	v10 =	vor.u32 $0xE, v2;
	v8 =	vld.idx.msk [tilespmem:v17+s20+$0x0], $0xffff  }
0x166: {  	v17 =	vor.u32 $0xE, v3;
	v11 =	vld.idx.msk [tilespmem:v11+s18+$0x0], $0xffff  }
0x167: {  	v2 =	vor.u32 $0xF, v2;
	v4 =	vadd.f32 v5, v4;
	v5 =	vmul.f32 v9, v12;
	v9 =	vld.idx.msk [tilespmem:v14+s20+$0x0], $0xffff  }
0x168: {  	v3 =	vor.u32 $0xF, v3;
	v7 =	vld.idx.msk [tilespmem:v7+s18+$0x0], $0xffff  }
0x169: {  	v4 =	vadd.f32 v5, v4;
	v5 =	vmul.f32 v6, v13;
	v6 =	vld.idx.msk [tilespmem:v16+s20+$0x0], $0xffff  }
0x16a: {  	v10 =	vld.idx.msk [tilespmem:v10+s18+$0x0], $0xffff  }
0x16b: {  	v4 =	vadd.f32 v5, v4;
	v5 =	vmul.f32 v8, v15;
	v8 =	vld.idx.msk [tilespmem:v17+s20+$0x0], $0xffff  }
0x16c: {  	v2 =	vld.idx.msk [tilespmem:v2+s18+$0x0], $0xffff  }
0x16d: {  	v4 =	vadd.f32 v5, v4;
	v5 =	vmul.f32 v9, v11;
	v3 =	vld.idx.msk [tilespmem:v3+s20+$0x0], $0xffff;
	_ =	sdelay $0x1  }
0x16e: {  	v4 =	vadd.f32 v5, v4;
	v5 =	vmul.f32 v6, v7;
	_ =	sdelay $0x1  }
0x16f: {  	v4 =	vadd.f32 v5, v4;
	v5 =	vmul.f32 v8, v10;
	_ =	sdelay $0x1  }
0x170: {  	v4 =	vadd.f32 v5, v4;
	v2 =	vmul.f32 v3, v2;
	_ =	sdelay $0x1  }
.Ltmp1:
0x171: {  	v2 =	vadd.f32 v2, v4;
	(pc) =	sbr.rel @p0 .LBB2_4-.Ltmp1, $4  }
0x172: {  	s0 =	sadd.s32 $0x10, s0  }
0x173: {  	s1 =	sadd.s32 $0x10, s1;
	[tilespmem:s0+$0x0] =	vst v2  }
0x174: {  	s11 =	sadd.s32 $0x10, s11;
	v2 =	vld [tilespmem:s1+$0x0]  }
0x175: {  	s15 =	sadd.s32 $0x10, s15;
	v3 =	vld [tilespmem:s11+$0x0]  }
0x176: {  	_ =	sdelay $0x1  }
0x177: {  	v4 =	vmov s13  }
0x178: {  	v4 =	vshll.u32 v4, $0x7;
	v2 =	vshll.u32 v2, $0x4  }
0x179: {  	v4 =	vor.u32 v0, v4;
	v2 =	vand.u32 $0x70, v2;
	v3 =	vshll.u32 v3, $0x4  }
0x17a: {  	v3 =	vand.u32 $0x70, v3;
	v2 =	vor.u32 v4, v2  }
0x17b: {  	v3 =	vor.u32 v4, v3  }
0x17c: {  	s1 =	sadd.s32 $0x10, s31;
	v4 =	vor.u32 $0x1, v2  }
0x17d: {  	s15 =	sadd.s32 $0x10, s30;
	v5 =	vld [tilespmem:s1+$0x0];
	v6 =	vor.u32 $0x1, v3  }
0x17e: {  	v7 =	vld [tilespmem:s15+$0x0];
	v8 =	vor.u32 $0x2, v2  }
0x17f: {  	v10 =	vor.u32 $0x2, v3;
	v9 =	vld.idx.msk [tilespmem:v2+s18+$0x0], $0xffff  }
0x180: {  	v12 =	vor.u32 $0x3, v2;
	v11 =	vld.idx.msk [tilespmem:v3+s20+$0x0], $0xffff  }
0x181: {  	v13 =	vor.u32 $0x3, v3;
	v4 =	vld.idx.msk [tilespmem:v4+s18+$0x0], $0xffff  }
0x182: {  	v14 =	vor.u32 $0x4, v2;
	v6 =	vld.idx.msk [tilespmem:v6+s20+$0x0], $0xffff  }
0x183: {  	v7 =	vadd.f32 v7, v1;
	v15 =	vor.u32 $0x4, v3;
	v8 =	vld.idx.msk [tilespmem:v8+s18+$0x0], $0xffff  }
0x184: {  	v16 =	vor.u32 $0x5, v2;
	v10 =	vld.idx.msk [tilespmem:v10+s20+$0x0], $0xffff  }
0x185: {  	v17 =	vor.u32 $0x5, v3;
	v5 =	vadd.f32 v5, v7;
	v12 =	vld.idx.msk [tilespmem:v12+s18+$0x0], $0xffff;
	v34 =	vmul.f32 v11, v9  }
0x186: {  	v38 =	vor.u32 $0x6, v3;
	v35 =	vld.idx.msk [tilespmem:v13+s20+$0x0], $0xffff  }
0x187: {  	v36 =	vor.u32 $0x6, v2;
	v37 =	vld.idx.msk [tilespmem:v14+s18+$0x0], $0xffff;
	v4 =	vmul.f32 v6, v4;
	v5 =	vadd.f32 v34, v5  }
0x188: {  	v40 =	vor.u32 $0x7, v2;
	v39 =	vld.idx.msk [tilespmem:v15+s20+$0x0], $0xffff  }
0x189: {  	v42 =	vor.u32 $0x7, v3;
	v41 =	vld.idx.msk [tilespmem:v16+s18+$0x0], $0xffff;
	v4 =	vadd.f32 v4, v5;
	v5 =	vmul.f32 v10, v8  }
0x18a: {  	v45 =	vor.u32 $0x8, v3;
	v43 =	vld.idx.msk [tilespmem:v17+s20+$0x0], $0xffff  }
0x18b: {  	v44 =	vor.u32 $0x8, v2;
	v46 =	vld.idx.msk [tilespmem:v38+s20+$0x0], $0xffff;
	v4 =	vadd.f32 v5, v4;
	v5 =	vmul.f32 v35, v12  }
0x18c: {  	v48 =	vor.u32 $0x9, v3;
	v11 =	vld.idx.msk [tilespmem:v36+s18+$0x0], $0xffff  }
0x18d: {  	v47 =	vor.u32 $0x9, v2;
	v7 =	vld.idx.msk [tilespmem:v40+s18+$0x0], $0xffff;
	v4 =	vadd.f32 v5, v4;
	v5 =	vmul.f32 v39, v37  }
0x18e: {  	v50 =	vor.u32 $0xA, v2;
	v49 =	vld.idx.msk [tilespmem:v42+s20+$0x0], $0xffff  }
0x18f: {  	v51 =	vor.u32 $0xA, v3;
	v52 =	vld.idx.msk [tilespmem:v45+s20+$0x0], $0xffff;
	v4 =	vadd.f32 v5, v4;
	v5 =	vmul.f32 v43, v41  }
0x190: {  	v53 =	vor.u32 $0xB, v2;
	v10 =	vld.idx.msk [tilespmem:v44+s18+$0x0], $0xffff  }
0x191: {  	v54 =	vor.u32 $0xB, v3;
	v55 =	vld.idx.msk [tilespmem:v48+s20+$0x0], $0xffff;
	v4 =	vadd.f32 v5, v4;
	v5 =	vmul.f32 v46, v11  }
0x192: {  	v57 =	vor.u32 $0xC, v3;
	v12 =	vld.idx.msk [tilespmem:v47+s18+$0x0], $0xffff  }
0x193: {  	v56 =	vor.u32 $0xC, v2;
	v13 =	vld.idx.msk [tilespmem:v50+s18+$0x0], $0xffff;
	v4 =	vadd.f32 v5, v4;
	v5 =	vmul.f32 v49, v7  }
0x194: {  	v60 =	vor.u32 $0xD, v3;
	v58 =	vld.idx.msk [tilespmem:v51+s20+$0x0], $0xffff  }
0x195: {  	v59 =	vor.u32 $0xD, v2;
	v15 =	vld.idx.msk [tilespmem:v53+s18+$0x0], $0xffff;
	v4 =	vadd.f32 v5, v4;
	v5 =	vmul.f32 v52, v10  }
0x196: {  	v63 =	vor.u32 $0xE, v3;
	v61 =	vld.idx.msk [tilespmem:v54+s20+$0x0], $0xffff  }
0x197: {  	v62 =	vor.u32 $0xE, v2;
	v14 =	vld.idx.msk [tilespmem:v57+s20+$0x0], $0xffff;
	v4 =	vadd.f32 v5, v4;
	v5 =	vmul.f32 v55, v12  }
0x198: {  	v2 =	vor.u32 $0xF, v2;
	v11 =	vld.idx.msk [tilespmem:v56+s18+$0x0], $0xffff  }
0x199: {  	v3 =	vor.u32 $0xF, v3;
	v16 =	vld.idx.msk [tilespmem:v60+s20+$0x0], $0xffff;
	v4 =	vadd.f32 v5, v4;
	v5 =	vmul.f32 v58, v13  }
0x19a: {  	v7 =	vld.idx.msk [tilespmem:v59+s18+$0x0], $0xffff  }
0x19b: {  	v18 =	vld.idx.msk [tilespmem:v63+s20+$0x0], $0xffff;
	v4 =	vadd.f32 v5, v4;
	v5 =	vmul.f32 v61, v15  }
0x19c: {  	v10 =	vld.idx.msk [tilespmem:v62+s18+$0x0], $0xffff  }
0x19d: {  	v2 =	vld.idx.msk [tilespmem:v2+s18+$0x0], $0xffff;
	v4 =	vadd.f32 v5, v4;
	v5 =	vmul.f32 v14, v11  }
0x19e: {  	v3 =	vld.idx.msk [tilespmem:v3+s20+$0x0], $0xffff  }
0x19f: {  	v4 =	vadd.f32 v5, v4;
	v5 =	vmul.f32 v16, v7;
	_ =	sdelay $0x1  }
0x1a0: {  	v4 =	vadd.f32 v5, v4;
	v5 =	vmul.f32 v18, v10;
	_ =	sdelay $0x1  }
0x1a1: {  	v2 =	vmul.f32 v3, v2;
	v4 =	vadd.f32 v5, v4;
	_ =	sdelay $0x1  }
0x1a2: {  	v2 =	vadd.f32 v2, v4  }
0x1a3: {  	s0 =	sadd.s32 $0x10, s0  }
0x1a4: {  	[tilespmem:s0+$0x0] =	vst v2  }
0x1a5: {  	[tilespmem:s18], [sflag:$0x2] =	stream.indirect.gather [hbm4b:s4+s12], $0x80, s25, s12, $0xb8;
	[tilespmem:$0x10E80] =	vst v63  }
0x1a6: {  	_ = 	snop  }
0x1a7: {  	[tilespmem:s20], [sflag:$0x2] =	stream.indirect.gather [hbm4b:s4+s12], $0x80, s26, s12, $0xb8;
	[tilespmem:$0x10E80] =	vst v63  }
0x1a8: {  	_ =	swait.ge [sflag:s22], $0x4000  }
0x1a9: {  	[sflag:s22] =	ssyncset.done $0x0  }
0x1aa: {  	[sflag:s22] =	ssyncadd.s32 $0xFFFFC000  }
0x1ab: {  	_ =	swait.ge [sflag:s22], $0x4000  }
0x1ac: {  	[sflag:s22] =	ssyncset.done $0x0  }
0x1ad: {  	s11 =	simm.s32 $0x100;
	[sflag:s22] =	ssyncadd.s32 $0xFFFFC000  }
0x1ae: {  	s13 =	simm.s32 $0x300;
	v2 =	vld [tilespmem:s11+$0x0]  }
0x1af: {  	v3 =	vld [tilespmem:s13+$0x0];
	_ =	sdelay $0x1  }
0x1b0: {  	s15 =	simm.s32 $0x0  }
0x1b1: {  	v4 =	vmov s15  }
0x1b2: {  	v4 =	vshll.u32 v4, $0x7;
	v2 =	vshll.u32 v2, $0x4  }
0x1b3: {  	v4 =	vor.u32 v0, v4;
	v3 =	vshll.u32 v3, $0x4;
	v2 =	vand.u32 $0x70, v2  }
0x1b4: {  	v3 =	vand.u32 $0x70, v3;
	v2 =	vor.u32 v4, v2  }
0x1b5: {  	v3 =	vor.u32 v4, v3  }
0x1b6: {  	s31 =	simm.s32 $0x10B00;
	v4 =	vor.u32 $0x1, v2  }
0x1b7: {  	s30 =	simm.s32 $0x10900;
	v5 =	vld [tilespmem:s31+$0x0];
	v19 =	vor.u32 $0x1, v3  }
0x1b8: {  	v20 =	vld [tilespmem:s30+$0x0];
	v21 =	vor.u32 $0x2, v2  }
0x1b9: {  	v23 =	vor.u32 $0x2, v3;
	v22 =	vld.idx.msk [tilespmem:v2+s14+$0x0], $0xffff  }
0x1ba: {  	v25 =	vor.u32 $0x3, v2;
	v24 =	vld.idx.msk [tilespmem:v3+s16+$0x0], $0xffff  }
0x1bb: {  	v26 =	vor.u32 $0x3, v3;
	v4 =	vld.idx.msk [tilespmem:v4+s14+$0x0], $0xffff  }
0x1bc: {  	v27 =	vor.u32 $0x4, v2;
	v6 =	vld.idx.msk [tilespmem:v19+s16+$0x0], $0xffff  }
0x1bd: {  	v7 =	vadd.f32 v20, v1;
	v28 =	vor.u32 $0x4, v3;
	v8 =	vld.idx.msk [tilespmem:v21+s14+$0x0], $0xffff  }
0x1be: {  	v29 =	vor.u32 $0x5, v2;
	v10 =	vld.idx.msk [tilespmem:v23+s16+$0x0], $0xffff  }
0x1bf: {  	v5 =	vadd.f32 v5, v7;
	v30 =	vor.u32 $0x5, v3;
	v12 =	vld.idx.msk [tilespmem:v25+s14+$0x0], $0xffff;
	v31 =	vmul.f32 v24, v22  }
0x1c0: {  	v33 =	vor.u32 $0x6, v2;
	v32 =	vld.idx.msk [tilespmem:v26+s16+$0x0], $0xffff  }
0x1c1: {  	v35 =	vor.u32 $0x6, v3;
	v34 =	vld.idx.msk [tilespmem:v27+s14+$0x0], $0xffff;
	v4 =	vmul.f32 v6, v4;
	v5 =	vadd.f32 v31, v5  }
0x1c2: {  	v37 =	vor.u32 $0x7, v2;
	v36 =	vld.idx.msk [tilespmem:v28+s16+$0x0], $0xffff  }
0x1c3: {  	v39 =	vor.u32 $0x7, v3;
	v38 =	vld.idx.msk [tilespmem:v29+s14+$0x0], $0xffff;
	v4 =	vadd.f32 v4, v5;
	v5 =	vmul.f32 v10, v8  }
0x1c4: {  	v42 =	vor.u32 $0x8, v3;
	v40 =	vld.idx.msk [tilespmem:v30+s16+$0x0], $0xffff  }
0x1c5: {  	v41 =	vor.u32 $0x8, v2;
	v11 =	vld.idx.msk [tilespmem:v33+s14+$0x0], $0xffff;
	v4 =	vadd.f32 v5, v4;
	v5 =	vmul.f32 v32, v12  }
0x1c6: {  	v45 =	vor.u32 $0x9, v3;
	v43 =	vld.idx.msk [tilespmem:v35+s16+$0x0], $0xffff  }
0x1c7: {  	v44 =	vor.u32 $0x9, v2;
	v7 =	vld.idx.msk [tilespmem:v37+s14+$0x0], $0xffff;
	v4 =	vadd.f32 v5, v4;
	v5 =	vmul.f32 v36, v34  }
0x1c8: {  	v47 =	vor.u32 $0xA, v2;
	v46 =	vld.idx.msk [tilespmem:v39+s16+$0x0], $0xffff  }
0x1c9: {  	v48 =	vor.u32 $0xA, v3;
	v49 =	vld.idx.msk [tilespmem:v42+s16+$0x0], $0xffff;
	v4 =	vadd.f32 v5, v4;
	v5 =	vmul.f32 v40, v38  }
0x1ca: {  	v50 =	vor.u32 $0xB, v2;
	v10 =	vld.idx.msk [tilespmem:v41+s14+$0x0], $0xffff  }
0x1cb: {  	v51 =	vor.u32 $0xB, v3;
	v52 =	vld.idx.msk [tilespmem:v45+s16+$0x0], $0xffff;
	v4 =	vadd.f32 v5, v4;
	v5 =	vmul.f32 v43, v11  }
0x1cc: {  	v54 =	vor.u32 $0xC, v3;
	v12 =	vld.idx.msk [tilespmem:v44+s14+$0x0], $0xffff  }
0x1cd: {  	v53 =	vor.u32 $0xC, v2;
	v13 =	vld.idx.msk [tilespmem:v47+s14+$0x0], $0xffff;
	v4 =	vadd.f32 v5, v4;
	v5 =	vmul.f32 v46, v7  }
0x1ce: {  	v57 =	vor.u32 $0xD, v3;
	v55 =	vld.idx.msk [tilespmem:v48+s16+$0x0], $0xffff  }
0x1cf: {  	v56 =	vor.u32 $0xD, v2;
	v15 =	vld.idx.msk [tilespmem:v50+s14+$0x0], $0xffff;
	v4 =	vadd.f32 v5, v4;
	v5 =	vmul.f32 v49, v10  }
0x1d0: {  	v60 =	vor.u32 $0xE, v3;
	v58 =	vld.idx.msk [tilespmem:v51+s16+$0x0], $0xffff  }
0x1d1: {  	v59 =	vor.u32 $0xE, v2;
	v61 =	vld.idx.msk [tilespmem:v54+s16+$0x0], $0xffff;
	v4 =	vadd.f32 v5, v4;
	v5 =	vmul.f32 v52, v12  }
0x1d2: {  	v2 =	vor.u32 $0xF, v2;
	v11 =	vld.idx.msk [tilespmem:v53+s14+$0x0], $0xffff  }
0x1d3: {  	v3 =	vor.u32 $0xF, v3;
	v62 =	vld.idx.msk [tilespmem:v57+s16+$0x0], $0xffff;
	v4 =	vadd.f32 v5, v4;
	v5 =	vmul.f32 v55, v13  }
0x1d4: {  	v7 =	vld.idx.msk [tilespmem:v56+s14+$0x0], $0xffff  }
0x1d5: {  	v63 =	vld.idx.msk [tilespmem:v60+s16+$0x0], $0xffff;
	v4 =	vadd.f32 v5, v4;
	v5 =	vmul.f32 v58, v15  }
0x1d6: {  	v10 =	vld.idx.msk [tilespmem:v59+s14+$0x0], $0xffff  }
0x1d7: {  	v2 =	vld.idx.msk [tilespmem:v2+s14+$0x0], $0xffff;
	v4 =	vadd.f32 v5, v4;
	v5 =	vmul.f32 v61, v11  }
0x1d8: {  	v3 =	vld.idx.msk [tilespmem:v3+s16+$0x0], $0xffff  }
0x1d9: {  	v4 =	vadd.f32 v5, v4;
	v5 =	vmul.f32 v62, v7;
	_ =	sdelay $0x1  }
0x1da: {  	v4 =	vadd.f32 v5, v4;
	v5 =	vmul.f32 v63, v10;
	_ =	sdelay $0x1  }
0x1db: {  	v2 =	vmul.f32 v3, v2;
	v4 =	vadd.f32 v5, v4;
	_ =	sdelay $0x1  }
0x1dc: {  	v2 =	vadd.f32 v2, v4  }
0x1dd: {  	s0 =	simm.s32 $0x10D00  }
0x1de: {  	s1 =	simm.s32 $0x110;
	[tilespmem:s0+$0x0] =	vst v2  }
0x1df: {  	s11 =	simm.s32 $0x310;
	v2 =	vld [tilespmem:s1+$0x0]  }
0x1e0: {  	s15 =	simm.s32 $0x20;
	s13 =	simm.s32 $0x10;
	v3 =	vld [tilespmem:s11+$0x0]  }
.LBB2_6:
0x1e1: {  	p0 =	sne.s32 s15, $0x70;
	_ =	sdelay $0x1  }
0x1e2: {  	v4 =	vmov s13;
	s13 =	smov.u32 s15  }
0x1e3: {  	v4 =	vshll.u32 v4, $0x7;
	v2 =	vshll.u32 v2, $0x4  }
0x1e4: {  	v4 =	vor.u32 v0, v4;
	v2 =	vand.u32 $0x70, v2;
	v3 =	vshll.u32 v3, $0x4  }
0x1e5: {  	v3 =	vand.u32 $0x70, v3;
	v2 =	vor.u32 v4, v2  }
0x1e6: {  	v3 =	vor.u32 v4, v3  }
0x1e7: {  	s31 =	sadd.s32 $0x10, s31;
	v4 =	vor.u32 $0x1, v2  }
0x1e8: {  	s30 =	sadd.s32 $0x10, s30;
	v6 =	vor.u32 $0x1, v3;
	v5 =	vld [tilespmem:s31+$0x0]  }
0x1e9: {  	v8 =	vor.u32 $0x2, v2;
	v7 =	vld [tilespmem:s30+$0x0]  }
0x1ea: {  	v10 =	vor.u32 $0x2, v3;
	v9 =	vld.idx.msk [tilespmem:v2+s14+$0x0], $0xffff  }
0x1eb: {  	v12 =	vor.u32 $0x3, v2;
	v11 =	vld.idx.msk [tilespmem:v3+s16+$0x0], $0xffff  }
0x1ec: {  	v13 =	vor.u32 $0x3, v3;
	v4 =	vld.idx.msk [tilespmem:v4+s14+$0x0], $0xffff  }
0x1ed: {  	v14 =	vor.u32 $0x4, v2;
	v6 =	vld.idx.msk [tilespmem:v6+s16+$0x0], $0xffff  }
0x1ee: {  	v15 =	vor.u32 $0x4, v3;
	v8 =	vld.idx.msk [tilespmem:v8+s14+$0x0], $0xffff  }
0x1ef: {  	v16 =	vor.u32 $0x5, v2;
	v7 =	vadd.f32 v7, v1;
	v10 =	vld.idx.msk [tilespmem:v10+s16+$0x0], $0xffff  }
0x1f0: {  	v17 =	vor.u32 $0x5, v3;
	v12 =	vld.idx.msk [tilespmem:v12+s14+$0x0], $0xffff  }
0x1f1: {  	v5 =	vadd.f32 v5, v7;
	v7 =	vmul.f32 v11, v9;
	v11 =	vor.u32 $0x6, v2;
	v9 =	vld.idx.msk [tilespmem:v13+s16+$0x0], $0xffff  }
0x1f2: {  	v13 =	vld.idx.msk [tilespmem:v14+s14+$0x0], $0xffff;
	v14 =	vor.u32 $0x6, v3  }
0x1f3: {  	v5 =	vadd.f32 v7, v5;
	v4 =	vmul.f32 v6, v4;
	v7 =	vor.u32 $0x7, v2;
	v6 =	vld.idx.msk [tilespmem:v15+s16+$0x0], $0xffff  }
0x1f4: {  	v15 =	vld.idx.msk [tilespmem:v16+s14+$0x0], $0xffff;
	v16 =	vor.u32 $0x7, v3  }
0x1f5: {  	v4 =	vadd.f32 v4, v5;
	v5 =	vmul.f32 v10, v8;
	v10 =	vor.u32 $0x8, v2;
	v8 =	vld.idx.msk [tilespmem:v17+s16+$0x0], $0xffff  }
0x1f6: {  	v17 =	vor.u32 $0x8, v3;
	v11 =	vld.idx.msk [tilespmem:v11+s14+$0x0], $0xffff  }
0x1f7: {  	v4 =	vadd.f32 v5, v4;
	v5 =	vmul.f32 v9, v12;
	v12 =	vor.u32 $0x9, v2;
	v9 =	vld.idx.msk [tilespmem:v14+s16+$0x0], $0xffff  }
0x1f8: {  	v14 =	vor.u32 $0x9, v3;
	v7 =	vld.idx.msk [tilespmem:v7+s14+$0x0], $0xffff  }
0x1f9: {  	v4 =	vadd.f32 v5, v4;
	v5 =	vmul.f32 v6, v13;
	v13 =	vor.u32 $0xA, v2;
	v6 =	vld.idx.msk [tilespmem:v16+s16+$0x0], $0xffff  }
0x1fa: {  	v16 =	vor.u32 $0xA, v3;
	v10 =	vld.idx.msk [tilespmem:v10+s14+$0x0], $0xffff  }
0x1fb: {  	v4 =	vadd.f32 v5, v4;
	v5 =	vmul.f32 v8, v15;
	v15 =	vor.u32 $0xB, v2;
	v8 =	vld.idx.msk [tilespmem:v17+s16+$0x0], $0xffff  }
0x1fc: {  	v17 =	vor.u32 $0xB, v3;
	v12 =	vld.idx.msk [tilespmem:v12+s14+$0x0], $0xffff  }
0x1fd: {  	v4 =	vadd.f32 v5, v4;
	v5 =	vmul.f32 v9, v11;
	v11 =	vor.u32 $0xC, v2;
	v9 =	vld.idx.msk [tilespmem:v14+s16+$0x0], $0xffff  }
0x1fe: {  	v14 =	vor.u32 $0xC, v3;
	v13 =	vld.idx.msk [tilespmem:v13+s14+$0x0], $0xffff  }
0x1ff: {  	v4 =	vadd.f32 v5, v4;
	v5 =	vmul.f32 v6, v7;
	v7 =	vor.u32 $0xD, v2;
	v6 =	vld.idx.msk [tilespmem:v16+s16+$0x0], $0xffff  }
0x200: {  	v16 =	vor.u32 $0xD, v3;
	v15 =	vld.idx.msk [tilespmem:v15+s14+$0x0], $0xffff  }
0x201: {  	v4 =	vadd.f32 v5, v4;
	v5 =	vmul.f32 v8, v10;
	v10 =	vor.u32 $0xE, v2;
	v8 =	vld.idx.msk [tilespmem:v17+s16+$0x0], $0xffff  }
0x202: {  	v17 =	vor.u32 $0xE, v3;
	v11 =	vld.idx.msk [tilespmem:v11+s14+$0x0], $0xffff  }
0x203: {  	v2 =	vor.u32 $0xF, v2;
	v4 =	vadd.f32 v5, v4;
	v5 =	vmul.f32 v9, v12;
	v9 =	vld.idx.msk [tilespmem:v14+s16+$0x0], $0xffff  }
0x204: {  	v3 =	vor.u32 $0xF, v3;
	v7 =	vld.idx.msk [tilespmem:v7+s14+$0x0], $0xffff  }
0x205: {  	v4 =	vadd.f32 v5, v4;
	v5 =	vmul.f32 v6, v13;
	v6 =	vld.idx.msk [tilespmem:v16+s16+$0x0], $0xffff  }
0x206: {  	v10 =	vld.idx.msk [tilespmem:v10+s14+$0x0], $0xffff  }
0x207: {  	v4 =	vadd.f32 v5, v4;
	v5 =	vmul.f32 v8, v15;
	v8 =	vld.idx.msk [tilespmem:v17+s16+$0x0], $0xffff  }
0x208: {  	v2 =	vld.idx.msk [tilespmem:v2+s14+$0x0], $0xffff  }
0x209: {  	v4 =	vadd.f32 v5, v4;
	v5 =	vmul.f32 v9, v11;
	v3 =	vld.idx.msk [tilespmem:v3+s16+$0x0], $0xffff;
	_ =	sdelay $0x1  }
0x20a: {  	v4 =	vadd.f32 v5, v4;
	v5 =	vmul.f32 v6, v7;
	_ =	sdelay $0x1  }
0x20b: {  	v4 =	vadd.f32 v5, v4;
	v5 =	vmul.f32 v8, v10;
	_ =	sdelay $0x1  }
0x20c: {  	v4 =	vadd.f32 v5, v4;
	v2 =	vmul.f32 v3, v2;
	_ =	sdelay $0x1  }
.Ltmp2:
0x20d: {  	v2 =	vadd.f32 v2, v4;
	(pc) =	sbr.rel @p0 .LBB2_6-.Ltmp2, $4  }
0x20e: {  	s0 =	sadd.s32 $0x10, s0  }
0x20f: {  	s1 =	sadd.s32 $0x10, s1;
	[tilespmem:s0+$0x0] =	vst v2  }
0x210: {  	s11 =	sadd.s32 $0x10, s11;
	v2 =	vld [tilespmem:s1+$0x0]  }
0x211: {  	s15 =	sadd.s32 $0x10, s15;
	v3 =	vld [tilespmem:s11+$0x0]  }
0x212: {  	_ =	sdelay $0x1  }
0x213: {  	v4 =	vmov s13  }
0x214: {  	v4 =	vshll.u32 v4, $0x7;
	v2 =	vshll.u32 v2, $0x4  }
0x215: {  	v4 =	vor.u32 v0, v4;
	v2 =	vand.u32 $0x70, v2;
	v3 =	vshll.u32 v3, $0x4  }
0x216: {  	v3 =	vand.u32 $0x70, v3;
	v2 =	vor.u32 v4, v2  }
0x217: {  	v3 =	vor.u32 v4, v3  }
0x218: {  	s1 =	sadd.s32 $0x10, s31;
	v4 =	vor.u32 $0x1, v2  }
0x219: {  	s15 =	sadd.s32 $0x10, s30;
	v5 =	vld [tilespmem:s1+$0x0];
	v6 =	vor.u32 $0x1, v3  }
0x21a: {  	v7 =	vld [tilespmem:s15+$0x0];
	v8 =	vor.u32 $0x2, v2  }
0x21b: {  	v10 =	vor.u32 $0x2, v3;
	v9 =	vld.idx.msk [tilespmem:v2+s14+$0x0], $0xffff  }
0x21c: {  	v12 =	vor.u32 $0x3, v2;
	v11 =	vld.idx.msk [tilespmem:v3+s16+$0x0], $0xffff  }
0x21d: {  	v13 =	vor.u32 $0x3, v3;
	v4 =	vld.idx.msk [tilespmem:v4+s14+$0x0], $0xffff  }
0x21e: {  	v14 =	vor.u32 $0x4, v2;
	v6 =	vld.idx.msk [tilespmem:v6+s16+$0x0], $0xffff  }
0x21f: {  	v7 =	vadd.f32 v7, v1;
	v15 =	vor.u32 $0x4, v3;
	v8 =	vld.idx.msk [tilespmem:v8+s14+$0x0], $0xffff  }
0x220: {  	v16 =	vor.u32 $0x5, v2;
	v10 =	vld.idx.msk [tilespmem:v10+s16+$0x0], $0xffff  }
0x221: {  	v17 =	vor.u32 $0x5, v3;
	v5 =	vadd.f32 v5, v7;
	v12 =	vld.idx.msk [tilespmem:v12+s14+$0x0], $0xffff;
	v34 =	vmul.f32 v11, v9  }
0x222: {  	v38 =	vor.u32 $0x6, v3;
	v35 =	vld.idx.msk [tilespmem:v13+s16+$0x0], $0xffff  }
0x223: {  	v36 =	vor.u32 $0x6, v2;
	v37 =	vld.idx.msk [tilespmem:v14+s14+$0x0], $0xffff;
	v4 =	vmul.f32 v6, v4;
	v5 =	vadd.f32 v34, v5  }
0x224: {  	v40 =	vor.u32 $0x7, v2;
	v39 =	vld.idx.msk [tilespmem:v15+s16+$0x0], $0xffff  }
0x225: {  	v42 =	vor.u32 $0x7, v3;
	v41 =	vld.idx.msk [tilespmem:v16+s14+$0x0], $0xffff;
	v4 =	vadd.f32 v4, v5;
	v5 =	vmul.f32 v10, v8  }
0x226: {  	v45 =	vor.u32 $0x8, v3;
	v43 =	vld.idx.msk [tilespmem:v17+s16+$0x0], $0xffff  }
0x227: {  	v44 =	vor.u32 $0x8, v2;
	v46 =	vld.idx.msk [tilespmem:v38+s16+$0x0], $0xffff;
	v4 =	vadd.f32 v5, v4;
	v5 =	vmul.f32 v35, v12  }
0x228: {  	v48 =	vor.u32 $0x9, v3;
	v11 =	vld.idx.msk [tilespmem:v36+s14+$0x0], $0xffff  }
0x229: {  	v47 =	vor.u32 $0x9, v2;
	v7 =	vld.idx.msk [tilespmem:v40+s14+$0x0], $0xffff;
	v4 =	vadd.f32 v5, v4;
	v5 =	vmul.f32 v39, v37  }
0x22a: {  	v50 =	vor.u32 $0xA, v2;
	v49 =	vld.idx.msk [tilespmem:v42+s16+$0x0], $0xffff  }
0x22b: {  	v51 =	vor.u32 $0xA, v3;
	v52 =	vld.idx.msk [tilespmem:v45+s16+$0x0], $0xffff;
	v4 =	vadd.f32 v5, v4;
	v5 =	vmul.f32 v43, v41  }
0x22c: {  	v53 =	vor.u32 $0xB, v2;
	v10 =	vld.idx.msk [tilespmem:v44+s14+$0x0], $0xffff  }
0x22d: {  	v54 =	vor.u32 $0xB, v3;
	v55 =	vld.idx.msk [tilespmem:v48+s16+$0x0], $0xffff;
	v4 =	vadd.f32 v5, v4;
	v5 =	vmul.f32 v46, v11  }
0x22e: {  	v57 =	vor.u32 $0xC, v3;
	v12 =	vld.idx.msk [tilespmem:v47+s14+$0x0], $0xffff  }
0x22f: {  	v56 =	vor.u32 $0xC, v2;
	v13 =	vld.idx.msk [tilespmem:v50+s14+$0x0], $0xffff;
	v4 =	vadd.f32 v5, v4;
	v5 =	vmul.f32 v49, v7  }
0x230: {  	v60 =	vor.u32 $0xD, v3;
	v58 =	vld.idx.msk [tilespmem:v51+s16+$0x0], $0xffff  }
0x231: {  	v59 =	vor.u32 $0xD, v2;
	v15 =	vld.idx.msk [tilespmem:v53+s14+$0x0], $0xffff;
	v4 =	vadd.f32 v5, v4;
	v5 =	vmul.f32 v52, v10  }
0x232: {  	v63 =	vor.u32 $0xE, v3;
	v61 =	vld.idx.msk [tilespmem:v54+s16+$0x0], $0xffff  }
0x233: {  	v62 =	vor.u32 $0xE, v2;
	v14 =	vld.idx.msk [tilespmem:v57+s16+$0x0], $0xffff;
	v4 =	vadd.f32 v5, v4;
	v5 =	vmul.f32 v55, v12  }
0x234: {  	v2 =	vor.u32 $0xF, v2;
	v11 =	vld.idx.msk [tilespmem:v56+s14+$0x0], $0xffff  }
0x235: {  	v3 =	vor.u32 $0xF, v3;
	v16 =	vld.idx.msk [tilespmem:v60+s16+$0x0], $0xffff;
	v4 =	vadd.f32 v5, v4;
	v5 =	vmul.f32 v58, v13  }
0x236: {  	v7 =	vld.idx.msk [tilespmem:v59+s14+$0x0], $0xffff  }
0x237: {  	v18 =	vld.idx.msk [tilespmem:v63+s16+$0x0], $0xffff;
	v4 =	vadd.f32 v5, v4;
	v5 =	vmul.f32 v61, v15  }
0x238: {  	v10 =	vld.idx.msk [tilespmem:v62+s14+$0x0], $0xffff  }
0x239: {  	v2 =	vld.idx.msk [tilespmem:v2+s14+$0x0], $0xffff;
	v4 =	vadd.f32 v5, v4;
	v5 =	vmul.f32 v14, v11  }
0x23a: {  	v3 =	vld.idx.msk [tilespmem:v3+s16+$0x0], $0xffff  }
0x23b: {  	v4 =	vadd.f32 v5, v4;
	v5 =	vmul.f32 v16, v7;
	_ =	sdelay $0x1  }
0x23c: {  	v4 =	vadd.f32 v5, v4;
	v5 =	vmul.f32 v18, v10;
	_ =	sdelay $0x1  }
0x23d: {  	v2 =	vmul.f32 v3, v2;
	v4 =	vadd.f32 v5, v4;
	_ =	sdelay $0x1  }
0x23e: {  	v2 =	vadd.f32 v2, v4  }
0x23f: {  	s0 =	sadd.s32 $0x10, s0  }
0x240: {  	[tilespmem:s0+$0x0] =	vst v2  }
0x241: {  	_ =	swait.ge [sflag:s21], $0x4000  }
0x242: {  	[sflag:s21] =	ssyncset.done $0x0  }
0x243: {  	[sflag:s21] =	ssyncadd.s32 $0xFFFFC000  }
0x244: {  	_ =	swait.ge [sflag:s21], $0x4000  }
0x245: {  	[sflag:s21] =	ssyncset.done $0x0  }
0x246: {  	s11 =	simm.s32 $0x180;
	[sflag:s21] =	ssyncadd.s32 $0xFFFFC000  }
0x247: {  	s13 =	simm.s32 $0x380;
	v2 =	vld [tilespmem:s11+$0x0]  }
0x248: {  	v3 =	vld [tilespmem:s13+$0x0];
	_ =	sdelay $0x1  }
0x249: {  	s15 =	simm.s32 $0x0  }
0x24a: {  	v4 =	vmov s15  }
0x24b: {  	v4 =	vshll.u32 v4, $0x7;
	v2 =	vshll.u32 v2, $0x4  }
0x24c: {  	v4 =	vor.u32 v0, v4;
	v3 =	vshll.u32 v3, $0x4;
	v2 =	vand.u32 $0x70, v2  }
0x24d: {  	v3 =	vand.u32 $0x70, v3;
	v2 =	vor.u32 v4, v2  }
0x24e: {  	v3 =	vor.u32 v4, v3  }
0x24f: {  	s31 =	simm.s32 $0x10B80;
	v4 =	vor.u32 $0x1, v2  }
0x250: {  	s30 =	simm.s32 $0x10980;
	v5 =	vld [tilespmem:s31+$0x0];
	v19 =	vor.u32 $0x1, v3  }
0x251: {  	v20 =	vld [tilespmem:s30+$0x0];
	v21 =	vor.u32 $0x2, v2  }
0x252: {  	v23 =	vor.u32 $0x2, v3;
	v22 =	vld.idx.msk [tilespmem:v2+s18+$0x0], $0xffff  }
0x253: {  	v25 =	vor.u32 $0x3, v2;
	v24 =	vld.idx.msk [tilespmem:v3+s20+$0x0], $0xffff  }
0x254: {  	v26 =	vor.u32 $0x3, v3;
	v4 =	vld.idx.msk [tilespmem:v4+s18+$0x0], $0xffff  }
0x255: {  	v27 =	vor.u32 $0x4, v2;
	v6 =	vld.idx.msk [tilespmem:v19+s20+$0x0], $0xffff  }
0x256: {  	v7 =	vadd.f32 v20, v1;
	v28 =	vor.u32 $0x4, v3;
	v8 =	vld.idx.msk [tilespmem:v21+s18+$0x0], $0xffff  }
0x257: {  	v29 =	vor.u32 $0x5, v2;
	v10 =	vld.idx.msk [tilespmem:v23+s20+$0x0], $0xffff  }
0x258: {  	v5 =	vadd.f32 v5, v7;
	v30 =	vor.u32 $0x5, v3;
	v12 =	vld.idx.msk [tilespmem:v25+s18+$0x0], $0xffff;
	v31 =	vmul.f32 v24, v22  }
0x259: {  	v33 =	vor.u32 $0x6, v2;
	v32 =	vld.idx.msk [tilespmem:v26+s20+$0x0], $0xffff  }
0x25a: {  	v35 =	vor.u32 $0x6, v3;
	v34 =	vld.idx.msk [tilespmem:v27+s18+$0x0], $0xffff;
	v4 =	vmul.f32 v6, v4;
	v5 =	vadd.f32 v31, v5  }
0x25b: {  	v37 =	vor.u32 $0x7, v2;
	v36 =	vld.idx.msk [tilespmem:v28+s20+$0x0], $0xffff  }
0x25c: {  	v39 =	vor.u32 $0x7, v3;
	v38 =	vld.idx.msk [tilespmem:v29+s18+$0x0], $0xffff;
	v4 =	vadd.f32 v4, v5;
	v5 =	vmul.f32 v10, v8  }
0x25d: {  	v42 =	vor.u32 $0x8, v3;
	v40 =	vld.idx.msk [tilespmem:v30+s20+$0x0], $0xffff  }
0x25e: {  	v41 =	vor.u32 $0x8, v2;
	v11 =	vld.idx.msk [tilespmem:v33+s18+$0x0], $0xffff;
	v4 =	vadd.f32 v5, v4;
	v5 =	vmul.f32 v32, v12  }
0x25f: {  	v45 =	vor.u32 $0x9, v3;
	v43 =	vld.idx.msk [tilespmem:v35+s20+$0x0], $0xffff  }
0x260: {  	v44 =	vor.u32 $0x9, v2;
	v7 =	vld.idx.msk [tilespmem:v37+s18+$0x0], $0xffff;
	v4 =	vadd.f32 v5, v4;
	v5 =	vmul.f32 v36, v34  }
0x261: {  	v47 =	vor.u32 $0xA, v2;
	v46 =	vld.idx.msk [tilespmem:v39+s20+$0x0], $0xffff  }
0x262: {  	v48 =	vor.u32 $0xA, v3;
	v49 =	vld.idx.msk [tilespmem:v42+s20+$0x0], $0xffff;
	v4 =	vadd.f32 v5, v4;
	v5 =	vmul.f32 v40, v38  }
0x263: {  	v50 =	vor.u32 $0xB, v2;
	v10 =	vld.idx.msk [tilespmem:v41+s18+$0x0], $0xffff  }
0x264: {  	v51 =	vor.u32 $0xB, v3;
	v52 =	vld.idx.msk [tilespmem:v45+s20+$0x0], $0xffff;
	v4 =	vadd.f32 v5, v4;
	v5 =	vmul.f32 v43, v11  }
0x265: {  	v54 =	vor.u32 $0xC, v3;
	v12 =	vld.idx.msk [tilespmem:v44+s18+$0x0], $0xffff  }
0x266: {  	v53 =	vor.u32 $0xC, v2;
	v13 =	vld.idx.msk [tilespmem:v47+s18+$0x0], $0xffff;
	v4 =	vadd.f32 v5, v4;
	v5 =	vmul.f32 v46, v7  }
0x267: {  	v57 =	vor.u32 $0xD, v3;
	v55 =	vld.idx.msk [tilespmem:v48+s20+$0x0], $0xffff  }
0x268: {  	v56 =	vor.u32 $0xD, v2;
	v15 =	vld.idx.msk [tilespmem:v50+s18+$0x0], $0xffff;
	v4 =	vadd.f32 v5, v4;
	v5 =	vmul.f32 v49, v10  }
0x269: {  	v60 =	vor.u32 $0xE, v3;
	v58 =	vld.idx.msk [tilespmem:v51+s20+$0x0], $0xffff  }
0x26a: {  	v59 =	vor.u32 $0xE, v2;
	v61 =	vld.idx.msk [tilespmem:v54+s20+$0x0], $0xffff;
	v4 =	vadd.f32 v5, v4;
	v5 =	vmul.f32 v52, v12  }
0x26b: {  	v2 =	vor.u32 $0xF, v2;
	v11 =	vld.idx.msk [tilespmem:v53+s18+$0x0], $0xffff  }
0x26c: {  	v3 =	vor.u32 $0xF, v3;
	v62 =	vld.idx.msk [tilespmem:v57+s20+$0x0], $0xffff;
	v4 =	vadd.f32 v5, v4;
	v5 =	vmul.f32 v55, v13  }
0x26d: {  	v7 =	vld.idx.msk [tilespmem:v56+s18+$0x0], $0xffff  }
0x26e: {  	v63 =	vld.idx.msk [tilespmem:v60+s20+$0x0], $0xffff;
	v4 =	vadd.f32 v5, v4;
	v5 =	vmul.f32 v58, v15  }
0x26f: {  	v10 =	vld.idx.msk [tilespmem:v59+s18+$0x0], $0xffff  }
0x270: {  	v2 =	vld.idx.msk [tilespmem:v2+s18+$0x0], $0xffff;
	v4 =	vadd.f32 v5, v4;
	v5 =	vmul.f32 v61, v11  }
0x271: {  	v3 =	vld.idx.msk [tilespmem:v3+s20+$0x0], $0xffff  }
0x272: {  	v4 =	vadd.f32 v5, v4;
	v5 =	vmul.f32 v62, v7;
	_ =	sdelay $0x1  }
0x273: {  	v4 =	vadd.f32 v5, v4;
	v5 =	vmul.f32 v63, v10;
	_ =	sdelay $0x1  }
0x274: {  	v2 =	vmul.f32 v3, v2;
	v4 =	vadd.f32 v5, v4;
	_ =	sdelay $0x1  }
0x275: {  	v2 =	vadd.f32 v2, v4  }
0x276: {  	s0 =	simm.s32 $0x10D80  }
0x277: {  	s1 =	simm.s32 $0x190;
	[tilespmem:s0+$0x0] =	vst v2  }
0x278: {  	s11 =	simm.s32 $0x390;
	v2 =	vld [tilespmem:s1+$0x0]  }
0x279: {  	s15 =	simm.s32 $0x20;
	s13 =	simm.s32 $0x10;
	v3 =	vld [tilespmem:s11+$0x0]  }
.LBB2_8:
0x27a: {  	p0 =	sne.s32 s15, $0x70;
	_ =	sdelay $0x1  }
0x27b: {  	v4 =	vmov s13;
	s13 =	smov.u32 s15  }
0x27c: {  	v4 =	vshll.u32 v4, $0x7;
	v2 =	vshll.u32 v2, $0x4  }
0x27d: {  	v4 =	vor.u32 v0, v4;
	v2 =	vand.u32 $0x70, v2;
	v3 =	vshll.u32 v3, $0x4  }
0x27e: {  	v3 =	vand.u32 $0x70, v3;
	v2 =	vor.u32 v4, v2  }
0x27f: {  	v3 =	vor.u32 v4, v3  }
0x280: {  	s31 =	sadd.s32 $0x10, s31;
	v4 =	vor.u32 $0x1, v2  }
0x281: {  	s30 =	sadd.s32 $0x10, s30;
	v6 =	vor.u32 $0x1, v3;
	v5 =	vld [tilespmem:s31+$0x0]  }
0x282: {  	v8 =	vor.u32 $0x2, v2;
	v7 =	vld [tilespmem:s30+$0x0]  }
0x283: {  	v10 =	vor.u32 $0x2, v3;
	v9 =	vld.idx.msk [tilespmem:v2+s18+$0x0], $0xffff  }
0x284: {  	v12 =	vor.u32 $0x3, v2;
	v11 =	vld.idx.msk [tilespmem:v3+s20+$0x0], $0xffff  }
0x285: {  	v13 =	vor.u32 $0x3, v3;
	v4 =	vld.idx.msk [tilespmem:v4+s18+$0x0], $0xffff  }
0x286: {  	v14 =	vor.u32 $0x4, v2;
	v6 =	vld.idx.msk [tilespmem:v6+s20+$0x0], $0xffff  }
0x287: {  	v15 =	vor.u32 $0x4, v3;
	v8 =	vld.idx.msk [tilespmem:v8+s18+$0x0], $0xffff  }
0x288: {  	v16 =	vor.u32 $0x5, v2;
	v7 =	vadd.f32 v7, v1;
	v10 =	vld.idx.msk [tilespmem:v10+s20+$0x0], $0xffff  }
0x289: {  	v17 =	vor.u32 $0x5, v3;
	v12 =	vld.idx.msk [tilespmem:v12+s18+$0x0], $0xffff  }
0x28a: {  	v5 =	vadd.f32 v5, v7;
	v7 =	vmul.f32 v11, v9;
	v11 =	vor.u32 $0x6, v2;
	v9 =	vld.idx.msk [tilespmem:v13+s20+$0x0], $0xffff  }
0x28b: {  	v13 =	vld.idx.msk [tilespmem:v14+s18+$0x0], $0xffff;
	v14 =	vor.u32 $0x6, v3  }
0x28c: {  	v5 =	vadd.f32 v7, v5;
	v4 =	vmul.f32 v6, v4;
	v7 =	vor.u32 $0x7, v2;
	v6 =	vld.idx.msk [tilespmem:v15+s20+$0x0], $0xffff  }
0x28d: {  	v15 =	vld.idx.msk [tilespmem:v16+s18+$0x0], $0xffff;
	v16 =	vor.u32 $0x7, v3  }
0x28e: {  	v4 =	vadd.f32 v4, v5;
	v5 =	vmul.f32 v10, v8;
	v10 =	vor.u32 $0x8, v2;
	v8 =	vld.idx.msk [tilespmem:v17+s20+$0x0], $0xffff  }
0x28f: {  	v17 =	vor.u32 $0x8, v3;
	v11 =	vld.idx.msk [tilespmem:v11+s18+$0x0], $0xffff  }
0x290: {  	v4 =	vadd.f32 v5, v4;
	v5 =	vmul.f32 v9, v12;
	v12 =	vor.u32 $0x9, v2;
	v9 =	vld.idx.msk [tilespmem:v14+s20+$0x0], $0xffff  }
0x291: {  	v14 =	vor.u32 $0x9, v3;
	v7 =	vld.idx.msk [tilespmem:v7+s18+$0x0], $0xffff  }
0x292: {  	v4 =	vadd.f32 v5, v4;
	v5 =	vmul.f32 v6, v13;
	v13 =	vor.u32 $0xA, v2;
	v6 =	vld.idx.msk [tilespmem:v16+s20+$0x0], $0xffff  }
0x293: {  	v16 =	vor.u32 $0xA, v3;
	v10 =	vld.idx.msk [tilespmem:v10+s18+$0x0], $0xffff  }
0x294: {  	v4 =	vadd.f32 v5, v4;
	v5 =	vmul.f32 v8, v15;
	v15 =	vor.u32 $0xB, v2;
	v8 =	vld.idx.msk [tilespmem:v17+s20+$0x0], $0xffff  }
0x295: {  	v17 =	vor.u32 $0xB, v3;
	v12 =	vld.idx.msk [tilespmem:v12+s18+$0x0], $0xffff  }
0x296: {  	v4 =	vadd.f32 v5, v4;
	v5 =	vmul.f32 v9, v11;
	v11 =	vor.u32 $0xC, v2;
	v9 =	vld.idx.msk [tilespmem:v14+s20+$0x0], $0xffff  }
0x297: {  	v14 =	vor.u32 $0xC, v3;
	v13 =	vld.idx.msk [tilespmem:v13+s18+$0x0], $0xffff  }
0x298: {  	v4 =	vadd.f32 v5, v4;
	v5 =	vmul.f32 v6, v7;
	v7 =	vor.u32 $0xD, v2;
	v6 =	vld.idx.msk [tilespmem:v16+s20+$0x0], $0xffff  }
0x299: {  	v16 =	vor.u32 $0xD, v3;
	v15 =	vld.idx.msk [tilespmem:v15+s18+$0x0], $0xffff  }
0x29a: {  	v4 =	vadd.f32 v5, v4;
	v5 =	vmul.f32 v8, v10;
	v10 =	vor.u32 $0xE, v2;
	v8 =	vld.idx.msk [tilespmem:v17+s20+$0x0], $0xffff  }
0x29b: {  	v17 =	vor.u32 $0xE, v3;
	v11 =	vld.idx.msk [tilespmem:v11+s18+$0x0], $0xffff  }
0x29c: {  	v2 =	vor.u32 $0xF, v2;
	v4 =	vadd.f32 v5, v4;
	v5 =	vmul.f32 v9, v12;
	v9 =	vld.idx.msk [tilespmem:v14+s20+$0x0], $0xffff  }
0x29d: {  	v3 =	vor.u32 $0xF, v3;
	v7 =	vld.idx.msk [tilespmem:v7+s18+$0x0], $0xffff  }
0x29e: {  	v4 =	vadd.f32 v5, v4;
	v5 =	vmul.f32 v6, v13;
	v6 =	vld.idx.msk [tilespmem:v16+s20+$0x0], $0xffff  }
0x29f: {  	v10 =	vld.idx.msk [tilespmem:v10+s18+$0x0], $0xffff  }
0x2a0: {  	v4 =	vadd.f32 v5, v4;
	v5 =	vmul.f32 v8, v15;
	v8 =	vld.idx.msk [tilespmem:v17+s20+$0x0], $0xffff  }
0x2a1: {  	v2 =	vld.idx.msk [tilespmem:v2+s18+$0x0], $0xffff  }
0x2a2: {  	v4 =	vadd.f32 v5, v4;
	v5 =	vmul.f32 v9, v11;
	v3 =	vld.idx.msk [tilespmem:v3+s20+$0x0], $0xffff;
	_ =	sdelay $0x1  }
0x2a3: {  	v4 =	vadd.f32 v5, v4;
	v5 =	vmul.f32 v6, v7;
	_ =	sdelay $0x1  }
0x2a4: {  	v4 =	vadd.f32 v5, v4;
	v5 =	vmul.f32 v8, v10;
	_ =	sdelay $0x1  }
0x2a5: {  	v4 =	vadd.f32 v5, v4;
	v2 =	vmul.f32 v3, v2;
	_ =	sdelay $0x1  }
.Ltmp3:
0x2a6: {  	v2 =	vadd.f32 v2, v4;
	(pc) =	sbr.rel @p0 .LBB2_8-.Ltmp3, $4  }
0x2a7: {  	s0 =	sadd.s32 $0x10, s0  }
0x2a8: {  	s1 =	sadd.s32 $0x10, s1;
	[tilespmem:s0+$0x0] =	vst v2  }
0x2a9: {  	s11 =	sadd.s32 $0x10, s11;
	v2 =	vld [tilespmem:s1+$0x0]  }
0x2aa: {  	s15 =	sadd.s32 $0x10, s15;
	v3 =	vld [tilespmem:s11+$0x0]  }
0x2ab: {  	_ =	sdelay $0x1  }
0x2ac: {  	v4 =	vmov s13  }
0x2ad: {  	v4 =	vshll.u32 v4, $0x7;
	v2 =	vshll.u32 v2, $0x4  }
0x2ae: {  	v4 =	vor.u32 v0, v4;
	v2 =	vand.u32 $0x70, v2;
	v3 =	vshll.u32 v3, $0x4  }
0x2af: {  	v3 =	vand.u32 $0x70, v3;
	v2 =	vor.u32 v4, v2  }
0x2b0: {  	v3 =	vor.u32 v4, v3  }
0x2b1: {  	s1 =	sadd.s32 $0x10, s31;
	v61 =	vor.u32 $0x1, v2  }
0x2b2: {  	s31 =	sadd.s32 $0x10, s30;
	v5 =	vld [tilespmem:s1+$0x0];
	v6 =	vor.u32 $0x1, v3  }
0x2b3: {  	v7 =	vld [tilespmem:s31+$0x0];
	v8 =	vor.u32 $0x2, v2  }
0x2b4: {  	v10 =	vor.u32 $0x2, v3;
	v9 =	vld.idx.msk [tilespmem:v2+s18+$0x0], $0xffff  }
0x2b5: {  	v12 =	vor.u32 $0x3, v2;
	v11 =	vld.idx.msk [tilespmem:v3+s20+$0x0], $0xffff  }
0x2b6: {  	v13 =	vor.u32 $0x3, v3;
	v4 =	vld.idx.msk [tilespmem:v61+s18+$0x0], $0xffff  }
0x2b7: {  	v14 =	vor.u32 $0x4, v2;
	v6 =	vld.idx.msk [tilespmem:v6+s20+$0x0], $0xffff  }
0x2b8: {  	v1 =	vadd.f32 v7, v1;
	v15 =	vor.u32 $0x4, v3;
	v8 =	vld.idx.msk [tilespmem:v8+s18+$0x0], $0xffff  }
0x2b9: {  	v63 =	vor.u32 $0x5, v2;
	v62 =	vld.idx.msk [tilespmem:v10+s20+$0x0], $0xffff  }
0x2ba: {  	v16 =	vor.u32 $0x5, v3;
	v1 =	vadd.f32 v5, v1;
	v12 =	vld.idx.msk [tilespmem:v12+s18+$0x0], $0xffff;
	v19 =	vmul.f32 v11, v9  }
0x2bb: {  	v23 =	vor.u32 $0x6, v3;
	v20 =	vld.idx.msk [tilespmem:v13+s20+$0x0], $0xffff  }
0x2bc: {  	v21 =	vor.u32 $0x6, v2;
	v22 =	vld.idx.msk [tilespmem:v14+s18+$0x0], $0xffff;
	v4 =	vmul.f32 v6, v4;
	v1 =	vadd.f32 v19, v1  }
0x2bd: {  	v26 =	vor.u32 $0x7, v3;
	v24 =	vld.idx.msk [tilespmem:v15+s20+$0x0], $0xffff  }
0x2be: {  	v25 =	vor.u32 $0x7, v2;
	v10 =	vld.idx.msk [tilespmem:v63+s18+$0x0], $0xffff;
	v27 =	vmul.f32 v62, v8;
	v1 =	vadd.f32 v4, v1  }
0x2bf: {  	v30 =	vor.u32 $0x8, v3;
	v28 =	vld.idx.msk [tilespmem:v16+s20+$0x0], $0xffff  }
0x2c0: {  	v29 =	vor.u32 $0x8, v2;
	v32 =	vld.idx.msk [tilespmem:v23+s20+$0x0], $0xffff;
	v31 =	vmul.f32 v20, v12;
	v1 =	vadd.f32 v27, v1  }
0x2c1: {  	v34 =	vor.u32 $0x9, v3;
	v11 =	vld.idx.msk [tilespmem:v21+s18+$0x0], $0xffff  }
0x2c2: {  	v33 =	vor.u32 $0x9, v2;
	v36 =	vld.idx.msk [tilespmem:v26+s20+$0x0], $0xffff;
	v35 =	vmul.f32 v24, v22;
	v1 =	vadd.f32 v31, v1  }
0x2c3: {  	v37 =	vor.u32 $0xA, v2;
	v6 =	vld.idx.msk [tilespmem:v25+s18+$0x0], $0xffff  }
0x2c4: {  	v38 =	vor.u32 $0xA, v3;
	v40 =	vld.idx.msk [tilespmem:v30+s20+$0x0], $0xffff;
	v39 =	vmul.f32 v28, v10;
	v1 =	vadd.f32 v35, v1  }
0x2c5: {  	v42 =	vor.u32 $0xB, v3;
	v8 =	vld.idx.msk [tilespmem:v29+s18+$0x0], $0xffff  }
0x2c6: {  	v41 =	vor.u32 $0xB, v2;
	v44 =	vld.idx.msk [tilespmem:v34+s20+$0x0], $0xffff;
	v43 =	vmul.f32 v32, v11;
	v1 =	vadd.f32 v39, v1  }
0x2c7: {  	v46 =	vor.u32 $0xC, v3;
	v12 =	vld.idx.msk [tilespmem:v33+s18+$0x0], $0xffff  }
0x2c8: {  	v45 =	vor.u32 $0xC, v2;
	v13 =	vld.idx.msk [tilespmem:v37+s18+$0x0], $0xffff;
	v47 =	vmul.f32 v36, v6;
	v1 =	vadd.f32 v43, v1  }
0x2c9: {  	v50 =	vor.u32 $0xD, v3;
	v48 =	vld.idx.msk [tilespmem:v38+s20+$0x0], $0xffff  }
0x2ca: {  	v49 =	vor.u32 $0xD, v2;
	v52 =	vld.idx.msk [tilespmem:v42+s20+$0x0], $0xffff;
	v51 =	vmul.f32 v40, v8;
	v1 =	vadd.f32 v47, v1  }
0x2cb: {  	v54 =	vor.u32 $0xE, v3;
	v10 =	vld.idx.msk [tilespmem:v41+s18+$0x0], $0xffff  }
0x2cc: {  	v53 =	vor.u32 $0xE, v2;
	v56 =	vld.idx.msk [tilespmem:v46+s20+$0x0], $0xffff;
	v55 =	vmul.f32 v44, v12;
	v1 =	vadd.f32 v51, v1  }
0x2cd: {  	v2 =	vor.u32 $0xF, v2;
	v11 =	vld.idx.msk [tilespmem:v45+s18+$0x0], $0xffff  }
0x2ce: {  	v3 =	vor.u32 $0xF, v3;
	v58 =	vld.idx.msk [tilespmem:v50+s20+$0x0], $0xffff;
	v57 =	vmul.f32 v48, v13;
	v1 =	vadd.f32 v55, v1  }
0x2cf: {  	v6 =	vld.idx.msk [tilespmem:v49+s18+$0x0], $0xffff  }
0x2d0: {  	v60 =	vld.idx.msk [tilespmem:v54+s20+$0x0], $0xffff;
	v59 =	vmul.f32 v52, v10;
	v1 =	vadd.f32 v57, v1  }
0x2d1: {  	v8 =	vld.idx.msk [tilespmem:v53+s18+$0x0], $0xffff  }
0x2d2: {  	v2 =	vld.idx.msk [tilespmem:v2+s18+$0x0], $0xffff;
	v61 =	vmul.f32 v56, v11;
	v1 =	vadd.f32 v59, v1  }
0x2d3: {  	v3 =	vld.idx.msk [tilespmem:v3+s20+$0x0], $0xffff  }
0x2d4: {  	v62 =	vmul.f32 v58, v6;
	v1 =	vadd.f32 v61, v1;
	_ =	sdelay $0x1  }
0x2d5: {  	v63 =	vmul.f32 v60, v8;
	v1 =	vadd.f32 v62, v1;
	_ =	sdelay $0x1  }
0x2d6: {  	v2 =	vmul.f32 v3, v2;
	v1 =	vadd.f32 v63, v1;
	_ =	sdelay $0x1  }
0x2d7: {  	s29 =	sadd.s32 $0x1, s29;
	v1 =	vadd.f32 v2, v1  }
0x2d8: {  	s0 =	sadd.s32 $0x10, s0;
	p0 =	sne.s32 s29, s9  }
.Ltmp4:
0x2d9: {  	[tilespmem:s0+$0x0] =	vst v1;
	(pc) =	sbr.rel @p0 .LBB2_1-.Ltmp4, $4  }
0x2da: {  	[hbm4b:s8+s3] =	stream.linear.scatter [tilespmem:s28], [sflag:$0x3], $0x200, $0x38;
	[tilespmem:$0x10E80] =	vst v63  }
0x2db: {  	_ =	swait.ge [sflag:s10], $0x200  }
0x2dc: {  	[sflag:s10] =	ssyncset.done $0x0  }
0x2dd: {  	[sflag:s10] =	ssyncadd.s32 $0xFFFFFE00  }
0x2de: {  	_ =	sfence.sel $0x180000  }
0x2df: {  	[bflag:$0x0] =	sbarrier.arrive $0xFFFF  }
0x2e0: {  	_ =	strace $0x90000047  }
0x2e1: {  	s0 =	stileid.u32;
	[bflag:$0x2] =	sbarrier.arrive $0xFFFF  }
0x2e2: {  	p0 =	sne.s32 s0, $0x0;
	s0 =	rddreg [dreg:$0x3]  }
0x2e3: {  	s0 =	sadd.s32 @!p0 $0x100000, s0  }
0x2e4: {  	[sflag:s0] =	ssyncadd.tile.s32 @!p0 $0x1;
	_ =	shalt  }
.Lfunc_end2:
_tile_overlayer_lowered:
.L_overlay_start_2:
0x2e5: {  	(tag) =	ssettag $0x2  }
0x2e6: {  	s0 =	rddreg [dreg:$0x0];
	s2 =	stileid.u32  }
0x2e7: {  	s1 =	rddreg [dreg:$0x1];
	p0 =	sne.s32 s2, $0x0  }
0x2e8: {  	s3 =	rddreg [dreg:$0x2];
	[bflag:$0x3] =	sbarrier.arrive $0xFFFF;
	s2 =	simm.s32 @!p0 $0x1C03  }
0x2e9: {  	[timem:s3], [sflag:s2] =	dma.local @!p0 [hbm:s0], s1  }
0x2ea: {  	s0 =	simm.s32 @!p0 $0x3  }
0x2eb: {  	_ =	swait.ge @!p0 [sflag:s0], s1  }
0x2ec: {  	s1 =	ssub.s32 @!p0 $0x0, s1;
	[sflag:s0] =	ssyncset.done @!p0 $0x0  }
0x2ed: {  	[sflag:s0] =	ssyncadd.s32 @!p0 s1  }
0x2ee: {  	[bflag:$0x3] =	sbarrier.arrive $0xFFFF  }
0x2ef: {  	_ =	shalt  }

</sc_bundles>
